<compile_context>
chip_gen: v7x
topology: tpu7x:2x2x1
jax: 0.10.2.dev20260603
libtpu: 0.0.44.dev20260713+nightly
codegen_flags: <defaults>
</compile_context>

<pallas_src>
import functools

import jax
import jax.numpy as jnp
from jax import lax
from jax.experimental import pallas as pl
from jax.experimental.pallas import tpu as pltpu
from jax.experimental.pallas import tpu_sc as plsc

NC = 2
NS = 16
CH = 64
DW = 16


def _cdiv(a, b):
    return (a + b - 1) // b




def _make_agg(n_pad, d, pc, nph0, nph1, with_deg):
    rpt = n_pad // NS
    npairs = pc // 2

    out_type = [jax.ShapeDtypeStruct((NC * n_pad, d), jnp.float32)]
    scratch = [
        pltpu.VMEM((pc, CH), jnp.int32),
        pltpu.VMEM((pc, CH), jnp.int32),
        pltpu.VMEM((CH, d), jnp.float32),
        pltpu.VMEM((CH, d), jnp.float32),
        pltpu.VMEM_SHARED((n_pad, d), jnp.float32),
        pltpu.SemaphoreType.DMA,
        pltpu.SemaphoreType.DMA,
    ]
    if with_deg:
        out_type.append(jax.ShapeDtypeStruct((NC * n_pad, DW), jnp.float32))
        scratch += [
            pltpu.VMEM((CH, DW), jnp.float32),
            pltpu.VMEM_SHARED((n_pad, DW), jnp.float32),
        ]

    def body(f_hbm, src_hbm, dst_hbm, zrow_hbm, zdeg_hbm, ones_hbm, *rest):
        if with_deg:
            (agg_hbm, deg_hbm, src_v, dst_v, rows_a, rows_b, acc_sh,
             sem_a, sem_b, ones_v, dacc_sh) = rest
        else:
            (agg_hbm, src_v, dst_v, rows_a, rows_b, acc_sh,
             sem_a, sem_b) = rest
            deg_hbm = ones_v = dacc_sh = None
        c = lax.axis_index("c")
        s = lax.axis_index("s")
        nph_c = jnp.where(c == 0, nph0, nph1)
        base0 = jnp.where(c == 0, s * (nph0 * pc),
                          NS * (nph0 * pc) + s * (nph1 * pc))
        obase = c * n_pad + s * rpt

        pltpu.sync_copy(zrow_hbm, acc_sh.at[pl.ds(s * rpt, rpt)])
        if with_deg:
            pltpu.sync_copy(zdeg_hbm, dacc_sh.at[pl.ds(s * rpt, rpt)])
            pltpu.sync_copy(ones_hbm, ones_v)

        plsc.subcore_barrier()

        def gather_wait(buf, sem):
            pltpu.make_async_copy(f_hbm.at[pl.ds(0, CH)], buf, sem).wait()

        def process(j, buf, sem):
            gather_wait(buf, sem)
            pltpu.sync_copy(buf, acc_sh.at[dst_v.at[j]], add=True)
            if with_deg:
                pltpu.sync_copy(ones_v, dacc_sh.at[dst_v.at[j]], add=True)

        def phase(h, _):
            @pl.when(h < nph_c)
            def _():
                base = base0 + h * pc
                pltpu.sync_copy(src_hbm.at[pl.ds(base, pc)], src_v)
                pltpu.sync_copy(dst_hbm.at[pl.ds(base, pc)], dst_v)

                pltpu.async_copy(f_hbm.at[src_v.at[0]], rows_a, sem_a)
                pltpu.async_copy(f_hbm.at[src_v.at[1]], rows_b, sem_b)

                def pair(p, _):
                    j0 = 2 * p
                    process(j0, rows_a, sem_a)

                    @pl.when(p < npairs - 1)
                    def _():
                        pltpu.async_copy(f_hbm.at[src_v.at[j0 + 2]], rows_a,
                                         sem_a)

                    process(j0 + 1, rows_b, sem_b)

                    @pl.when(p < npairs - 1)
                    def _():
                        pltpu.async_copy(f_hbm.at[src_v.at[j0 + 3]], rows_b,
                                         sem_b)

                    return 0

                lax.fori_loop(0, npairs, pair, 0)

            return 0

        lax.fori_loop(0, max(nph0, nph1), phase, 0)

        plsc.subcore_barrier()

        pltpu.sync_copy(acc_sh.at[pl.ds(s * rpt, rpt)],
                        agg_hbm.at[pl.ds(obase, rpt)])
        if with_deg:
            pltpu.sync_copy(dacc_sh.at[pl.ds(s * rpt, rpt)],
                            deg_hbm.at[pl.ds(obase, rpt)])

    mesh = plsc.VectorSubcoreMesh(core_axis_name="c", subcore_axis_name="s",
                                  num_cores=NC)
    return pl.kernel(body, out_type=out_type, mesh=mesh,
                     scratch_types=scratch,
                     compiler_params=pltpu.CompilerParams(
                         use_tc_tiling_on_sc=False))




def _mm_first(xp, w, b, tm):
    n_pad, d = xp.shape

    def body(x_ref, w_ref, b_ref, o_ref):
        h = jnp.dot(x_ref[...], w_ref[...], preferred_element_type=jnp.float32)
        o_ref[...] = jnp.maximum(h + b_ref[...], 0.0)

    return pl.pallas_call(
        body,
        grid=(n_pad // tm,),
        in_specs=[
            pl.BlockSpec((tm, d), lambda i: (i, 0)),
            pl.BlockSpec((d, d), lambda i: (0, 0)),
            pl.BlockSpec((1, d), lambda i: (0, 0)),
        ],
        out_specs=pl.BlockSpec((tm, d), lambda i: (i, 0)),
        out_shape=jax.ShapeDtypeStruct((n_pad, d), jnp.float32),
    )(xp, w, b.reshape(1, d))


def _mm_pool(p, dg, w, b, tm):
    _, n_pad, d = p.shape

    def body(p_ref, dg_ref, w_ref, b_ref, o_ref):
        pv = p_ref[...]
        dv = dg_ref[...]
        deg = jnp.maximum(dv[0, :, 0:1] + dv[1, :, 0:1], 1.0)
        h = (pv[0] + pv[1]) / deg
        h = jnp.dot(h, w_ref[...], preferred_element_type=jnp.float32)
        o_ref[...] = jnp.maximum(h + b_ref[...], 0.0)

    return pl.pallas_call(
        body,
        grid=(n_pad // tm,),
        in_specs=[
            pl.BlockSpec((NC, tm, d), lambda i: (0, i, 0)),
            pl.BlockSpec((NC, tm, DW), lambda i: (0, i, 0)),
            pl.BlockSpec((d, d), lambda i: (0, 0)),
            pl.BlockSpec((1, d), lambda i: (0, 0)),
        ],
        out_specs=pl.BlockSpec((tm, d), lambda i: (i, 0)),
        out_shape=jax.ShapeDtypeStruct((n_pad, d), jnp.float32),
    )(p, dg, w, b.reshape(1, d))


def _pool_final(p, dg, tm):
    _, n_pad, d = p.shape

    def body(p_ref, dg_ref, o_ref):
        pv = p_ref[...]
        dv = dg_ref[...]
        deg = jnp.maximum(dv[0, :, 0:1] + dv[1, :, 0:1], 1.0)
        o_ref[...] = (pv[0] + pv[1]) / deg

    return pl.pallas_call(
        body,
        grid=(n_pad // tm,),
        in_specs=[
            pl.BlockSpec((NC, tm, d), lambda i: (0, i, 0)),
            pl.BlockSpec((NC, tm, DW), lambda i: (0, i, 0)),
        ],
        out_specs=pl.BlockSpec((tm, d), lambda i: (i, 0)),
        out_shape=jax.ShapeDtypeStruct((n_pad, d), jnp.float32),
    )(p, dg)




def kernel(x, edge_index, W1, b1, W2, b2, W3, b3):
    n, d = x.shape
    e = edge_index.shape[1]
    n_pad = _cdiv(n, NS * CH) * NS * CH
    pc = 40
    nphases = _cdiv(e, NS * CH * pc)
    c_chunks = pc * nphases
    e_pad = c_chunks * NS * CH
    tm = n_pad // 8

    src = edge_index[0]
    dst = edge_index[1]
    srcp = jnp.concatenate(
        [src, jnp.zeros((e_pad - e,), jnp.int32)]).reshape(NS * c_chunks, CH)
    dstp = jnp.concatenate(
        [dst, jnp.full((e_pad - e,), n, jnp.int32)]).reshape(NS * c_chunks, CH)
    xp = jnp.pad(x, ((0, n_pad - n), (0, 0)))

    rpt = n_pad // NS
    zrow = jnp.zeros((rpt, d), jnp.float32)
    zdeg = jnp.zeros((rpt, DW), jnp.float32)
    ones = jnp.ones((CH, DW), jnp.float32)

    agg_deg = _make_agg(n_pad, d, 40, 6, 2, with_deg=True)
    agg = _make_agg(n_pad, d, 80, 3, 1, with_deg=False)

    f1 = _mm_first(xp, W1, b1, tm)
    p1, dg = agg_deg(f1, srcp, dstp, zrow, zdeg, ones)
    p1 = p1.reshape(NC, n_pad, d)
    dg = dg.reshape(NC, n_pad, DW)
    f2 = _mm_pool(p1, dg, W2, b2, tm)
    (p2,) = agg(f2, srcp, dstp, zrow, zdeg, ones)
    f3 = _mm_pool(p2.reshape(NC, n_pad, d), dg, W3, b3, tm)
    (p3,) = agg(f3, srcp, dstp, zrow, zdeg, ones)
    out = _pool_final(p3.reshape(NC, n_pad, d), dg, tm)
    return out[:n]

# --- scband reference (transcript-rebuilt; emitter-appended) ---
"""Pipeline reference for scband-gcn-6708738916920 (READ-ONLY COPY).

The authoritative reference and input builder live on the scoring server;
editing this copy changes nothing except your own understanding.
"""

import jax, jax.numpy as jnp
import numpy as np

N = 10000
E = 320000
D = 128


def setup_inputs(seed: int = 0) -> dict:
    key = jax.random.key(seed)
    ks = jax.random.split(key, 9)
    x = jax.random.normal(ks[0], (N, D), dtype=jnp.float32)
    edge_index = jax.random.randint(ks[1], (2, E), 0, N, dtype=jnp.int32)
    s = 1.0 / np.sqrt(D)
    W1 = jax.random.uniform(ks[2], (D, D), dtype=jnp.float32, minval=-s, maxval=s)
    b1 = jax.random.uniform(ks[3], (D,), dtype=jnp.float32, minval=-s, maxval=s)
    W2 = jax.random.uniform(ks[4], (D, D), dtype=jnp.float32, minval=-s, maxval=s)
    b2 = jax.random.uniform(ks[5], (D,), dtype=jnp.float32, minval=-s, maxval=s)
    W3 = jax.random.uniform(ks[6], (D, D), dtype=jnp.float32, minval=-s, maxval=s)
    b3 = jax.random.uniform(ks[7], (D,), dtype=jnp.float32, minval=-s, maxval=s)
    return {"x": x, "edge_index": edge_index, "W1": W1, "b1": b1, "W2": W2, "b2": b2, "W3": W3, "b3": b3}


def reference(x, edge_index, W1, b1, W2, b2, W3, b3):
    # GCN: 3x (GraphConv -> GraphPool).
    # GraphConv(emb, emb): per-node dense transform + ReLU.
    # GraphPool(adj): mean aggregation over in-neighbors, i.e. D^{-1} A x,
    # implemented as gather(x, src) -> scatter-add at dst -> divide by degree.
    src = edge_index[0]
    dst = edge_index[1]
    deg = jnp.bincount(dst, length=N).astype(jnp.float32)
    deg = jnp.maximum(deg, 1.0)

    def gconv(h, W, b):
        return jax.nn.relu(h @ W + b)

    def gpool(h):
        agg = jnp.zeros_like(h).at[dst].add(h[src])
        return agg / deg[:, None]

    h = gpool(gconv(x, W1, b1))
    h = gpool(gconv(h, W2, b2))
    h = gpool(gconv(h, W3, b3))
    return h

if __name__ == "__main__":
    import jax
    _d = setup_inputs()
    print(jax.jit(kernel)(*tuple(_d.values())))

</pallas_src>

<mosaic_0001>
#map = affine_map<(d0, d1) -> (0, 0)>
module attributes {stable_mosaic.version = 14 : i64} {
  func.func @body(%arg0: i32, %arg1: i32, %arg2: memref<10240x128xf32, #tpu.memory_space<hbm>>, %arg3: memref<5120x64xi32, #tpu.memory_space<hbm>>, %arg4: memref<5120x64xi32, #tpu.memory_space<hbm>>, %arg5: memref<640x128xf32, #tpu.memory_space<hbm>>, %arg6: memref<640x16xf32, #tpu.memory_space<hbm>>, %arg7: memref<64x16xf32, #tpu.memory_space<hbm>>, %arg8: memref<20480x128xf32, #tpu.memory_space<hbm>>, %arg9: memref<20480x16xf32, #tpu.memory_space<hbm>>, %arg10: memref<40x64xi32, #tpu.memory_space<vmem>>, %arg11: memref<40x64xi32, #tpu.memory_space<vmem>>, %arg12: memref<64x128xf32, #tpu.memory_space<vmem>>, %arg13: memref<64x128xf32, #tpu.memory_space<vmem>>, %arg14: memref<10240x128xf32, #tpu.memory_space<vmem_shared>>, %arg15: memref<!tpu.dma_semaphore, #tpu.memory_space<semaphore_mem>>, %arg16: memref<!tpu.dma_semaphore, #tpu.memory_space<semaphore_mem>>, %arg17: memref<64x16xf32, #tpu.memory_space<vmem>>, %arg18: memref<10240x16xf32, #tpu.memory_space<vmem_shared>>) attributes {dimension_semantics = [#tpu.dimension_semantics<core_parallel>, #tpu.dimension_semantics<subcore_parallel>], iteration_bounds = array<i64: 2, 16>, scalar_prefetch = 0 : i64, scratch_operands = 9 : i64, tpu.core_type = #tpu.core_type<sc_vector_subcore>, window_params = [{transform_indices = #map}, {transform_indices = #map}, {transform_indices = #map}, {transform_indices = #map}, {transform_indices = #map}, {transform_indices = #map}, {transform_indices = #map}, {transform_indices = #map}]} {
    %eq3A = arith.constant 0 : i32
    %eq3A_0 = arith.cmpi eq, %arg0, %eq3A : i32
    %jit3A = arith.constant 6 : i32
    %jit3A_1 = arith.constant 2 : i32
    %select_n3A = arith.select %eq3A_0, %jit3A, %jit3A_1 : i32
    %eq3A_2 = arith.constant 0 : i32
    %eq3A_3 = arith.cmpi eq, %arg0, %eq3A_2 : i32
    %mul3A = arith.constant 240 : i32
    %mul3A_4 = arith.muli %arg1, %mul3A : i32
    %mul3A_5 = arith.constant 80 : i32
    %mul3A_6 = arith.muli %arg1, %mul3A_5 : i32
    %add3A = arith.constant 3840 : i32
    %add3A_7 = arith.addi %add3A, %mul3A_6 : i32
    %select_n3A_8 = arith.select %eq3A_3, %mul3A_4, %add3A_7 : i32
    %mul3A_9 = arith.constant 10240 : i32
    %mul3A_10 = arith.muli %arg0, %mul3A_9 : i32
    %mul3A_11 = arith.constant 640 : i32
    %mul3A_12 = arith.muli %arg1, %mul3A_11 : i32
    %add3A_13 = arith.addi %mul3A_10, %mul3A_12 : i32
    %mul3A_14 = arith.constant 640 : i32
    %mul3A_15 = arith.muli %arg1, %mul3A_14 : i32
    "tpu.region"() ({
      %run_scoped3A = tpu.sem_alloc : memref<!tpu.dma_semaphore, #tpu.memory_space<semaphore_mem>>
      %dma_start3A = arith.constant 0 : i32
      %dma_start3A_29 = tpu.memref_slice %arg14[%mul3A_15, %dma_start3A] : memref<10240x128xf32, #tpu.memory_space<vmem_shared>> -> memref<640x128xf32, #tpu.memory_space<vmem_shared>>
      tpu.enqueue_dma source(%arg5 : memref<640x128xf32, #tpu.memory_space<hbm>>) target(%dma_start3A_29 : memref<640x128xf32, #tpu.memory_space<vmem_shared>>) target_semaphore(%run_scoped3A : memref<!tpu.dma_semaphore, #tpu.memory_space<semaphore_mem>>)
      %dma_wait3A = arith.constant 0 : i32
      %dma_wait3A_30 = tpu.memref_slice %arg14[%mul3A_15, %dma_wait3A] : memref<10240x128xf32, #tpu.memory_space<vmem_shared>> -> memref<640x128xf32, #tpu.memory_space<vmem_shared>>
      tpu.wait_dma2 semaphore(%run_scoped3A : memref<!tpu.dma_semaphore, #tpu.memory_space<semaphore_mem>>) src(%arg5 : memref<640x128xf32, #tpu.memory_space<hbm>>) dst(%dma_wait3A_30 : memref<640x128xf32, #tpu.memory_space<vmem_shared>>)
      tpu.yield
    }) : () -> ()
    %mul3A_16 = arith.constant 640 : i32
    %mul3A_17 = arith.muli %arg1, %mul3A_16 : i32
    "tpu.region"() ({
      %run_scoped3A = tpu.sem_alloc : memref<!tpu.dma_semaphore, #tpu.memory_space<semaphore_mem>>
      %dma_start3A = arith.constant 0 : i32
      %dma_start3A_29 = tpu.memref_slice %arg18[%mul3A_17, %dma_start3A] : memref<10240x16xf32, #tpu.memory_space<vmem_shared>> -> memref<640x16xf32, #tpu.memory_space<vmem_shared>>
      tpu.enqueue_dma source(%arg6 : memref<640x16xf32, #tpu.memory_space<hbm>>) target(%dma_start3A_29 : memref<640x16xf32, #tpu.memory_space<vmem_shared>>) target_semaphore(%run_scoped3A : memref<!tpu.dma_semaphore, #tpu.memory_space<semaphore_mem>>)
      %dma_wait3A = arith.constant 0 : i32
      %dma_wait3A_30 = tpu.memref_slice %arg18[%mul3A_17, %dma_wait3A] : memref<10240x16xf32, #tpu.memory_space<vmem_shared>> -> memref<640x16xf32, #tpu.memory_space<vmem_shared>>
      tpu.wait_dma2 semaphore(%run_scoped3A : memref<!tpu.dma_semaphore, #tpu.memory_space<semaphore_mem>>) src(%arg6 : memref<640x16xf32, #tpu.memory_space<hbm>>) dst(%dma_wait3A_30 : memref<640x16xf32, #tpu.memory_space<vmem_shared>>)
      tpu.yield
    }) : () -> ()
    "tpu.region"() ({
      %run_scoped3A = tpu.sem_alloc : memref<!tpu.dma_semaphore, #tpu.memory_space<semaphore_mem>>
      tpu.enqueue_dma source(%arg7 : memref<64x16xf32, #tpu.memory_space<hbm>>) target(%arg17 : memref<64x16xf32, #tpu.memory_space<vmem>>) target_semaphore(%run_scoped3A : memref<!tpu.dma_semaphore, #tpu.memory_space<semaphore_mem>>)
      tpu.wait_dma2 semaphore(%run_scoped3A : memref<!tpu.dma_semaphore, #tpu.memory_space<semaphore_mem>>) src(%arg7 : memref<64x16xf32, #tpu.memory_space<hbm>>) dst(%arg17 : memref<64x16xf32, #tpu.memory_space<vmem>>)
      tpu.yield
    }) : () -> ()
    %barrier3A = arith.constant 0 : index
    tpu.barrier barrier_id(%barrier3A)
    %scan3A = arith.constant 0 : i32
    %scan3A_18 = arith.constant 0 : i32
    %scan3A_19 = arith.constant 6 : i32
    %scan3A_20 = arith.addi %scan3A_18, %scan3A_19 : i32
    %scan3A_21 = arith.constant 1 : i32
    %scan3A_22 = scf.for %scan3A_29 = %scan3A_18 to %scan3A_20 step %scan3A_21 iter_args(%scan3A_30 = %scan3A) -> (i32)  : i32 {
      %lt3A = arith.cmpi slt, %scan3A_29, %select_n3A : i32
      %convert_element_type3A = arith.extui %lt3A : i1 to i32
      %cond3A = arith.constant 0 : i32
      %cond3A_31 = arith.cmpi ne, %convert_element_type3A, %cond3A : i32
      scf.if %cond3A_31 {
        %mul3A_33 = arith.constant 40 : i32
        %mul3A_34 = arith.muli %scan3A_29, %mul3A_33 : i32
        %add3A_35 = arith.addi %select_n3A_8, %mul3A_34 : i32
        "tpu.region"() ({
          %run_scoped3A = tpu.sem_alloc : memref<!tpu.dma_semaphore, #tpu.memory_space<semaphore_mem>>
          %dma_start3A_56 = arith.constant 0 : i32
          %dma_start3A_57 = tpu.memref_slice %arg3[%add3A_35, %dma_start3A_56] : memref<5120x64xi32, #tpu.memory_space<hbm>> -> memref<40x64xi32, #tpu.memory_space<hbm>>
          %dma_start3A_58 = arith.constant 0 : i32
          %dma_start3A_59 = tpu.memref_slice %arg3[%add3A_35, %dma_start3A_58] : memref<5120x64xi32, #tpu.memory_space<hbm>> -> memref<40x64xi32, #tpu.memory_space<hbm>>
          tpu.enqueue_dma source(%dma_start3A_59 : memref<40x64xi32, #tpu.memory_space<hbm>>) target(%arg10 : memref<40x64xi32, #tpu.memory_space<vmem>>) target_semaphore(%run_scoped3A : memref<!tpu.dma_semaphore, #tpu.memory_space<semaphore_mem>>)
          %dma_wait3A = arith.constant 0 : i32
          %dma_wait3A_60 = tpu.memref_slice %arg3[%add3A_35, %dma_wait3A] : memref<5120x64xi32, #tpu.memory_space<hbm>> -> memref<40x64xi32, #tpu.memory_space<hbm>>
          %dma_wait3A_61 = arith.constant 0 : i32
          %dma_wait3A_62 = tpu.memref_slice %arg3[%add3A_35, %dma_wait3A_61] : memref<5120x64xi32, #tpu.memory_space<hbm>> -> memref<40x64xi32, #tpu.memory_space<hbm>>
          tpu.wait_dma2 semaphore(%run_scoped3A : memref<!tpu.dma_semaphore, #tpu.memory_space<semaphore_mem>>) src(%dma_wait3A_62 : memref<40x64xi32, #tpu.memory_space<hbm>>) dst(%arg10 : memref<40x64xi32, #tpu.memory_space<vmem>>)
          tpu.yield
        }) : () -> ()
        "tpu.region"() ({
          %run_scoped3A = tpu.sem_alloc : memref<!tpu.dma_semaphore, #tpu.memory_space<semaphore_mem>>
          %dma_start3A_56 = arith.constant 0 : i32
          %dma_start3A_57 = tpu.memref_slice %arg4[%add3A_35, %dma_start3A_56] : memref<5120x64xi32, #tpu.memory_space<hbm>> -> memref<40x64xi32, #tpu.memory_space<hbm>>
          %dma_start3A_58 = arith.constant 0 : i32
          %dma_start3A_59 = tpu.memref_slice %arg4[%add3A_35, %dma_start3A_58] : memref<5120x64xi32, #tpu.memory_space<hbm>> -> memref<40x64xi32, #tpu.memory_space<hbm>>
          tpu.enqueue_dma source(%dma_start3A_59 : memref<40x64xi32, #tpu.memory_space<hbm>>) target(%arg11 : memref<40x64xi32, #tpu.memory_space<vmem>>) target_semaphore(%run_scoped3A : memref<!tpu.dma_semaphore, #tpu.memory_space<semaphore_mem>>)
          %dma_wait3A = arith.constant 0 : i32
          %dma_wait3A_60 = tpu.memref_slice %arg4[%add3A_35, %dma_wait3A] : memref<5120x64xi32, #tpu.memory_space<hbm>> -> memref<40x64xi32, #tpu.memory_space<hbm>>
          %dma_wait3A_61 = arith.constant 0 : i32
          %dma_wait3A_62 = tpu.memref_slice %arg4[%add3A_35, %dma_wait3A_61] : memref<5120x64xi32, #tpu.memory_space<hbm>> -> memref<40x64xi32, #tpu.memory_space<hbm>>
          tpu.wait_dma2 semaphore(%run_scoped3A : memref<!tpu.dma_semaphore, #tpu.memory_space<semaphore_mem>>) src(%dma_wait3A_62 : memref<40x64xi32, #tpu.memory_space<hbm>>) dst(%arg11 : memref<40x64xi32, #tpu.memory_space<vmem>>)
          tpu.yield
        }) : () -> ()
        %dma_start3A = arith.constant 0 : i32
        %dma_start3A_36 = arith.constant 0 : i32
        %dma_start3A_37 = tpu.memref_slice %arg10[%dma_start3A, %dma_start3A_36] : memref<40x64xi32, #tpu.memory_space<vmem>> -> memref<1x64xi32, #tpu.memory_space<vmem>>
        %dma_start3A_38 = tpu.memref_squeeze %dma_start3A_37 : memref<1x64xi32, #tpu.memory_space<vmem>> -> memref<64xi32, #tpu.memory_space<vmem>>
        %dma_start3A_39 = arith.constant 0 : i32
        %dma_start3A_40 = arith.constant 0 : i32
        %dma_start3A_41 = tpu.memref_slice %arg2[%dma_start3A_39, %dma_start3A_40] : memref<10240x128xf32, #tpu.memory_space<hbm>> -> memref<10240x128xf32, #tpu.memory_space<hbm>>
        tpu.enqueue_indirect_dma source(%dma_start3A_41 : memref<10240x128xf32, #tpu.memory_space<hbm>>) target(%arg12 : memref<64x128xf32, #tpu.memory_space<vmem>>) offsets(%dma_start3A_38 : memref<64xi32, #tpu.memory_space<vmem>>) semaphore(%arg15 : memref<!tpu.dma_semaphore, #tpu.memory_space<semaphore_mem>>)
        %dma_start3A_42 = arith.constant 1 : i32
        %dma_start3A_43 = arith.constant 0 : i32
        %dma_start3A_44 = tpu.memref_slice %arg10[%dma_start3A_42, %dma_start3A_43] : memref<40x64xi32, #tpu.memory_space<vmem>> -> memref<1x64xi32, #tpu.memory_space<vmem>>
        %dma_start3A_45 = tpu.memref_squeeze %dma_start3A_44 : memref<1x64xi32, #tpu.memory_space<vmem>> -> memref<64xi32, #tpu.memory_space<vmem>>
        %dma_start3A_46 = arith.constant 0 : i32
        %dma_start3A_47 = arith.constant 0 : i32
        %dma_start3A_48 = tpu.memref_slice %arg2[%dma_start3A_46, %dma_start3A_47] : memref<10240x128xf32, #tpu.memory_space<hbm>> -> memref<10240x128xf32, #tpu.memory_space<hbm>>
        tpu.enqueue_indirect_dma source(%dma_start3A_48 : memref<10240x128xf32, #tpu.memory_space<hbm>>) target(%arg13 : memref<64x128xf32, #tpu.memory_space<vmem>>) offsets(%dma_start3A_45 : memref<64xi32, #tpu.memory_space<vmem>>) semaphore(%arg16 : memref<!tpu.dma_semaphore, #tpu.memory_space<semaphore_mem>>)
        %scan3A_49 = arith.constant 0 : i32
        %scan3A_50 = arith.constant 0 : i32
        %scan3A_51 = arith.constant 20 : i32
        %scan3A_52 = arith.addi %scan3A_50, %scan3A_51 : i32
        %scan3A_53 = arith.constant 1 : i32
        %scan3A_54 = scf.for %scan3A_56 = %scan3A_50 to %scan3A_52 step %scan3A_53 iter_args(%scan3A_57 = %scan3A_49) -> (i32)  : i32 {
          %mul3A_58 = arith.constant 2 : i32
          %mul3A_59 = arith.muli %mul3A_58, %scan3A_56 : i32
          %dma_wait3A = arith.constant 0 : i32
          %dma_wait3A_60 = arith.constant 0 : i32
          %dma_wait3A_61 = tpu.memref_slice %arg2[%dma_wait3A, %dma_wait3A_60] : memref<10240x128xf32, #tpu.memory_space<hbm>> -> memref<64x128xf32, #tpu.memory_space<hbm>>
          %dma_wait3A_62 = arith.constant 0 : i32
          %dma_wait3A_63 = arith.constant 0 : i32
          %dma_wait3A_64 = tpu.memref_slice %arg2[%dma_wait3A_62, %dma_wait3A_63] : memref<10240x128xf32, #tpu.memory_space<hbm>> -> memref<64x128xf32, #tpu.memory_space<hbm>>
          tpu.wait_dma2 semaphore(%arg15 : memref<!tpu.dma_semaphore, #tpu.memory_space<semaphore_mem>>) src(%dma_wait3A_64 : memref<64x128xf32, #tpu.memory_space<hbm>>) dst(%arg12 : memref<64x128xf32, #tpu.memory_space<vmem>>)
          "tpu.region"() ({
            %run_scoped3A = tpu.sem_alloc : memref<!tpu.dma_semaphore, #tpu.memory_space<semaphore_mem>>
            %dma_start3A_84 = arith.constant 0 : i32
            %dma_start3A_85 = tpu.memref_slice %arg11[%mul3A_59, %dma_start3A_84] : memref<40x64xi32, #tpu.memory_space<vmem>> -> memref<1x64xi32, #tpu.memory_space<vmem>>
            %dma_start3A_86 = tpu.memref_squeeze %dma_start3A_85 : memref<1x64xi32, #tpu.memory_space<vmem>> -> memref<64xi32, #tpu.memory_space<vmem>>
            %dma_start3A_87 = arith.constant 0 : i32
            %dma_start3A_88 = arith.constant 0 : i32
            %dma_start3A_89 = tpu.memref_slice %arg14[%dma_start3A_87, %dma_start3A_88] : memref<10240x128xf32, #tpu.memory_space<vmem_shared>> -> memref<10240x128xf32, #tpu.memory_space<vmem_shared>>
            tpu.enqueue_indirect_dma source(%arg12 : memref<64x128xf32, #tpu.memory_space<vmem>>) target(%dma_start3A_89 : memref<10240x128xf32, #tpu.memory_space<vmem_shared>>) offsets(%dma_start3A_86 : memref<64xi32, #tpu.memory_space<vmem>>) semaphore(%run_scoped3A : memref<!tpu.dma_semaphore, #tpu.memory_space<semaphore_mem>>) {add = true}
            %dma_wait3A_90 = arith.constant 0 : i32
            %dma_wait3A_91 = tpu.memref_slice %arg11[%mul3A_59, %dma_wait3A_90] : memref<40x64xi32, #tpu.memory_space<vmem>> -> memref<1x64xi32, #tpu.memory_space<vmem>>
            %dma_wait3A_92 = tpu.memref_squeeze %dma_wait3A_91 : memref<1x64xi32, #tpu.memory_space<vmem>> -> memref<64xi32, #tpu.memory_space<vmem>>
            %dma_wait3A_93 = arith.constant 0 : i32
            %dma_wait3A_94 = arith.constant 0 : i32
            %dma_wait3A_95 = tpu.memref_slice %arg14[%dma_wait3A_93, %dma_wait3A_94] : memref<10240x128xf32, #tpu.memory_space<vmem_shared>> -> memref<10240x128xf32, #tpu.memory_space<vmem_shared>>
            tpu.wait_indirect_dma semaphore(%run_scoped3A : memref<!tpu.dma_semaphore, #tpu.memory_space<semaphore_mem>>) src(%arg12 : memref<64x128xf32, #tpu.memory_space<vmem>>) dst(%dma_wait3A_95 : memref<10240x128xf32, #tpu.memory_space<vmem_shared>>)
            tpu.yield
          }) : () -> ()
          "tpu.region"() ({
            %run_scoped3A = tpu.sem_alloc : memref<!tpu.dma_semaphore, #tpu.memory_space<semaphore_mem>>
            %dma_start3A_84 = arith.constant 0 : i32
            %dma_start3A_85 = tpu.memref_slice %arg11[%mul3A_59, %dma_start3A_84] : memref<40x64xi32, #tpu.memory_space<vmem>> -> memref<1x64xi32, #tpu.memory_space<vmem>>
            %dma_start3A_86 = tpu.memref_squeeze %dma_start3A_85 : memref<1x64xi32, #tpu.memory_space<vmem>> -> memref<64xi32, #tpu.memory_space<vmem>>
            %dma_start3A_87 = arith.constant 0 : i32
            %dma_start3A_88 = arith.constant 0 : i32
            %dma_start3A_89 = tpu.memref_slice %arg18[%dma_start3A_87, %dma_start3A_88] : memref<10240x16xf32, #tpu.memory_space<vmem_shared>> -> memref<10240x16xf32, #tpu.memory_space<vmem_shared>>
            tpu.enqueue_indirect_dma source(%arg17 : memref<64x16xf32, #tpu.memory_space<vmem>>) target(%dma_start3A_89 : memref<10240x16xf32, #tpu.memory_space<vmem_shared>>) offsets(%dma_start3A_86 : memref<64xi32, #tpu.memory_space<vmem>>) semaphore(%run_scoped3A : memref<!tpu.dma_semaphore, #tpu.memory_space<semaphore_mem>>) {add = true}
            %dma_wait3A_90 = arith.constant 0 : i32
            %dma_wait3A_91 = tpu.memref_slice %arg11[%mul3A_59, %dma_wait3A_90] : memref<40x64xi32, #tpu.memory_space<vmem>> -> memref<1x64xi32, #tpu.memory_space<vmem>>
            %dma_wait3A_92 = tpu.memref_squeeze %dma_wait3A_91 : memref<1x64xi32, #tpu.memory_space<vmem>> -> memref<64xi32, #tpu.memory_space<vmem>>
            %dma_wait3A_93 = arith.constant 0 : i32
            %dma_wait3A_94 = arith.constant 0 : i32
            %dma_wait3A_95 = tpu.memref_slice %arg18[%dma_wait3A_93, %dma_wait3A_94] : memref<10240x16xf32, #tpu.memory_space<vmem_shared>> -> memref<10240x16xf32, #tpu.memory_space<vmem_shared>>
            tpu.wait_indirect_dma semaphore(%run_scoped3A : memref<!tpu.dma_semaphore, #tpu.memory_space<semaphore_mem>>) src(%arg17 : memref<64x16xf32, #tpu.memory_space<vmem>>) dst(%dma_wait3A_95 : memref<10240x16xf32, #tpu.memory_space<vmem_shared>>)
            tpu.yield
          }) : () -> ()
          %lt3A_65 = arith.constant 19 : i32
          %lt3A_66 = arith.cmpi slt, %scan3A_56, %lt3A_65 : i32
          %convert_element_type3A_67 = arith.extui %lt3A_66 : i1 to i32
          %cond3A_68 = arith.constant 0 : i32
          %cond3A_69 = arith.cmpi ne, %convert_element_type3A_67, %cond3A_68 : i32
          scf.if %cond3A_69 {
            %add3A_84 = arith.constant 2 : i32
            %add3A_85 = arith.addi %mul3A_59, %add3A_84 : i32
            %dma_start3A_86 = arith.constant 0 : i32
            %dma_start3A_87 = tpu.memref_slice %arg10[%add3A_85, %dma_start3A_86] : memref<40x64xi32, #tpu.memory_space<vmem>> -> memref<1x64xi32, #tpu.memory_space<vmem>>
            %dma_start3A_88 = tpu.memref_squeeze %dma_start3A_87 : memref<1x64xi32, #tpu.memory_space<vmem>> -> memref<64xi32, #tpu.memory_space<vmem>>
            %dma_start3A_89 = arith.constant 0 : i32
            %dma_start3A_90 = arith.constant 0 : i32
            %dma_start3A_91 = tpu.memref_slice %arg2[%dma_start3A_89, %dma_start3A_90] : memref<10240x128xf32, #tpu.memory_space<hbm>> -> memref<10240x128xf32, #tpu.memory_space<hbm>>
            tpu.enqueue_indirect_dma source(%dma_start3A_91 : memref<10240x128xf32, #tpu.memory_space<hbm>>) target(%arg12 : memref<64x128xf32, #tpu.memory_space<vmem>>) offsets(%dma_start3A_88 : memref<64xi32, #tpu.memory_space<vmem>>) semaphore(%arg15 : memref<!tpu.dma_semaphore, #tpu.memory_space<semaphore_mem>>)
          } else {
          }
          %add3A_70 = arith.constant 1 : i32
          %add3A_71 = arith.addi %mul3A_59, %add3A_70 : i32
          %dma_wait3A_72 = arith.constant 0 : i32
          %dma_wait3A_73 = arith.constant 0 : i32
          %dma_wait3A_74 = tpu.memref_slice %arg2[%dma_wait3A_72, %dma_wait3A_73] : memref<10240x128xf32, #tpu.memory_space<hbm>> -> memref<64x128xf32, #tpu.memory_space<hbm>>
          %dma_wait3A_75 = arith.constant 0 : i32
          %dma_wait3A_76 = arith.constant 0 : i32
          %dma_wait3A_77 = tpu.memref_slice %arg2[%dma_wait3A_75, %dma_wait3A_76] : memref<10240x128xf32, #tpu.memory_space<hbm>> -> memref<64x128xf32, #tpu.memory_space<hbm>>
          tpu.wait_dma2 semaphore(%arg16 : memref<!tpu.dma_semaphore, #tpu.memory_space<semaphore_mem>>) src(%dma_wait3A_77 : memref<64x128xf32, #tpu.memory_space<hbm>>) dst(%arg13 : memref<64x128xf32, #tpu.memory_space<vmem>>)
          "tpu.region"() ({
            %run_scoped3A = tpu.sem_alloc : memref<!tpu.dma_semaphore, #tpu.memory_space<semaphore_mem>>
            %dma_start3A_84 = arith.constant 0 : i32
            %dma_start3A_85 = tpu.memref_slice %arg11[%add3A_71, %dma_start3A_84] : memref<40x64xi32, #tpu.memory_space<vmem>> -> memref<1x64xi32, #tpu.memory_space<vmem>>
            %dma_start3A_86 = tpu.memref_squeeze %dma_start3A_85 : memref<1x64xi32, #tpu.memory_space<vmem>> -> memref<64xi32, #tpu.memory_space<vmem>>
            %dma_start3A_87 = arith.constant 0 : i32
            %dma_start3A_88 = arith.constant 0 : i32
            %dma_start3A_89 = tpu.memref_slice %arg14[%dma_start3A_87, %dma_start3A_88] : memref<10240x128xf32, #tpu.memory_space<vmem_shared>> -> memref<10240x128xf32, #tpu.memory_space<vmem_shared>>
            tpu.enqueue_indirect_dma source(%arg13 : memref<64x128xf32, #tpu.memory_space<vmem>>) target(%dma_start3A_89 : memref<10240x128xf32, #tpu.memory_space<vmem_shared>>) offsets(%dma_start3A_86 : memref<64xi32, #tpu.memory_space<vmem>>) semaphore(%run_scoped3A : memref<!tpu.dma_semaphore, #tpu.memory_space<semaphore_mem>>) {add = true}
            %dma_wait3A_90 = arith.constant 0 : i32
            %dma_wait3A_91 = tpu.memref_slice %arg11[%add3A_71, %dma_wait3A_90] : memref<40x64xi32, #tpu.memory_space<vmem>> -> memref<1x64xi32, #tpu.memory_space<vmem>>
            %dma_wait3A_92 = tpu.memref_squeeze %dma_wait3A_91 : memref<1x64xi32, #tpu.memory_space<vmem>> -> memref<64xi32, #tpu.memory_space<vmem>>
            %dma_wait3A_93 = arith.constant 0 : i32
            %dma_wait3A_94 = arith.constant 0 : i32
            %dma_wait3A_95 = tpu.memref_slice %arg14[%dma_wait3A_93, %dma_wait3A_94] : memref<10240x128xf32, #tpu.memory_space<vmem_shared>> -> memref<10240x128xf32, #tpu.memory_space<vmem_shared>>
            tpu.wait_indirect_dma semaphore(%run_scoped3A : memref<!tpu.dma_semaphore, #tpu.memory_space<semaphore_mem>>) src(%arg13 : memref<64x128xf32, #tpu.memory_space<vmem>>) dst(%dma_wait3A_95 : memref<10240x128xf32, #tpu.memory_space<vmem_shared>>)
            tpu.yield
          }) : () -> ()
          "tpu.region"() ({
            %run_scoped3A = tpu.sem_alloc : memref<!tpu.dma_semaphore, #tpu.memory_space<semaphore_mem>>
            %dma_start3A_84 = arith.constant 0 : i32
            %dma_start3A_85 = tpu.memref_slice %arg11[%add3A_71, %dma_start3A_84] : memref<40x64xi32, #tpu.memory_space<vmem>> -> memref<1x64xi32, #tpu.memory_space<vmem>>
            %dma_start3A_86 = tpu.memref_squeeze %dma_start3A_85 : memref<1x64xi32, #tpu.memory_space<vmem>> -> memref<64xi32, #tpu.memory_space<vmem>>
            %dma_start3A_87 = arith.constant 0 : i32
            %dma_start3A_88 = arith.constant 0 : i32
            %dma_start3A_89 = tpu.memref_slice %arg18[%dma_start3A_87, %dma_start3A_88] : memref<10240x16xf32, #tpu.memory_space<vmem_shared>> -> memref<10240x16xf32, #tpu.memory_space<vmem_shared>>
            tpu.enqueue_indirect_dma source(%arg17 : memref<64x16xf32, #tpu.memory_space<vmem>>) target(%dma_start3A_89 : memref<10240x16xf32, #tpu.memory_space<vmem_shared>>) offsets(%dma_start3A_86 : memref<64xi32, #tpu.memory_space<vmem>>) semaphore(%run_scoped3A : memref<!tpu.dma_semaphore, #tpu.memory_space<semaphore_mem>>) {add = true}
            %dma_wait3A_90 = arith.constant 0 : i32
            %dma_wait3A_91 = tpu.memref_slice %arg11[%add3A_71, %dma_wait3A_90] : memref<40x64xi32, #tpu.memory_space<vmem>> -> memref<1x64xi32, #tpu.memory_space<vmem>>
            %dma_wait3A_92 = tpu.memref_squeeze %dma_wait3A_91 : memref<1x64xi32, #tpu.memory_space<vmem>> -> memref<64xi32, #tpu.memory_space<vmem>>
            %dma_wait3A_93 = arith.constant 0 : i32
            %dma_wait3A_94 = arith.constant 0 : i32
            %dma_wait3A_95 = tpu.memref_slice %arg18[%dma_wait3A_93, %dma_wait3A_94] : memref<10240x16xf32, #tpu.memory_space<vmem_shared>> -> memref<10240x16xf32, #tpu.memory_space<vmem_shared>>
            tpu.wait_indirect_dma semaphore(%run_scoped3A : memref<!tpu.dma_semaphore, #tpu.memory_space<semaphore_mem>>) src(%arg17 : memref<64x16xf32, #tpu.memory_space<vmem>>) dst(%dma_wait3A_95 : memref<10240x16xf32, #tpu.memory_space<vmem_shared>>)
            tpu.yield
          }) : () -> ()
          %lt3A_78 = arith.constant 19 : i32
          %lt3A_79 = arith.cmpi slt, %scan3A_56, %lt3A_78 : i32
          %convert_element_type3A_80 = arith.extui %lt3A_79 : i1 to i32
          %cond3A_81 = arith.constant 0 : i32
          %cond3A_82 = arith.cmpi ne, %convert_element_type3A_80, %cond3A_81 : i32
          scf.if %cond3A_82 {
            %add3A_84 = arith.constant 3 : i32
            %add3A_85 = arith.addi %mul3A_59, %add3A_84 : i32
            %dma_start3A_86 = arith.constant 0 : i32
            %dma_start3A_87 = tpu.memref_slice %arg10[%add3A_85, %dma_start3A_86] : memref<40x64xi32, #tpu.memory_space<vmem>> -> memref<1x64xi32, #tpu.memory_space<vmem>>
            %dma_start3A_88 = tpu.memref_squeeze %dma_start3A_87 : memref<1x64xi32, #tpu.memory_space<vmem>> -> memref<64xi32, #tpu.memory_space<vmem>>
            %dma_start3A_89 = arith.constant 0 : i32
            %dma_start3A_90 = arith.constant 0 : i32
            %dma_start3A_91 = tpu.memref_slice %arg2[%dma_start3A_89, %dma_start3A_90] : memref<10240x128xf32, #tpu.memory_space<hbm>> -> memref<10240x128xf32, #tpu.memory_space<hbm>>
            tpu.enqueue_indirect_dma source(%dma_start3A_91 : memref<10240x128xf32, #tpu.memory_space<hbm>>) target(%arg13 : memref<64x128xf32, #tpu.memory_space<vmem>>) offsets(%dma_start3A_88 : memref<64xi32, #tpu.memory_space<vmem>>) semaphore(%arg16 : memref<!tpu.dma_semaphore, #tpu.memory_space<semaphore_mem>>)
          } else {
          }
          %scan3A_83 = arith.constant 0 : i32
          scf.yield %scan3A_83 : i32
        }
        %scan3A_55 = arith.constant 20 : i32
      } else {
      }
      %scan3A_32 = arith.constant 0 : i32
      scf.yield %scan3A_32 : i32
    }
    %scan3A_23 = arith.constant 6 : i32
    %barrier3A_24 = arith.constant 0 : index
    tpu.barrier barrier_id(%barrier3A_24)
    %mul3A_25 = arith.constant 640 : i32
    %mul3A_26 = arith.muli %arg1, %mul3A_25 : i32
    "tpu.region"() ({
      %run_scoped3A = tpu.sem_alloc : memref<!tpu.dma_semaphore, #tpu.memory_space<semaphore_mem>>
      %dma_start3A = arith.constant 0 : i32
      %dma_start3A_29 = tpu.memref_slice %arg8[%add3A_13, %dma_start3A] : memref<20480x128xf32, #tpu.memory_space<hbm>> -> memref<640x128xf32, #tpu.memory_space<hbm>>
      %dma_start3A_30 = arith.constant 0 : i32
      %dma_start3A_31 = tpu.memref_slice %arg14[%mul3A_26, %dma_start3A_30] : memref<10240x128xf32, #tpu.memory_space<vmem_shared>> -> memref<640x128xf32, #tpu.memory_space<vmem_shared>>
      tpu.enqueue_dma source(%dma_start3A_31 : memref<640x128xf32, #tpu.memory_space<vmem_shared>>) target(%dma_start3A_29 : memref<640x128xf32, #tpu.memory_space<hbm>>) target_semaphore(%run_scoped3A : memref<!tpu.dma_semaphore, #tpu.memory_space<semaphore_mem>>)
      %dma_wait3A = arith.constant 0 : i32
      %dma_wait3A_32 = tpu.memref_slice %arg8[%add3A_13, %dma_wait3A] : memref<20480x128xf32, #tpu.memory_space<hbm>> -> memref<640x128xf32, #tpu.memory_space<hbm>>
      %dma_wait3A_33 = arith.constant 0 : i32
      %dma_wait3A_34 = tpu.memref_slice %arg14[%mul3A_26, %dma_wait3A_33] : memref<10240x128xf32, #tpu.memory_space<vmem_shared>> -> memref<640x128xf32, #tpu.memory_space<vmem_shared>>
      tpu.wait_dma2 semaphore(%run_scoped3A : memref<!tpu.dma_semaphore, #tpu.memory_space<semaphore_mem>>) src(%dma_wait3A_34 : memref<640x128xf32, #tpu.memory_space<vmem_shared>>) dst(%dma_wait3A_32 : memref<640x128xf32, #tpu.memory_space<hbm>>)
      tpu.yield
    }) : () -> ()
    %mul3A_27 = arith.constant 640 : i32
    %mul3A_28 = arith.muli %arg1, %mul3A_27 : i32
    "tpu.region"() ({
      %run_scoped3A = tpu.sem_alloc : memref<!tpu.dma_semaphore, #tpu.memory_space<semaphore_mem>>
      %dma_start3A = arith.constant 0 : i32
      %dma_start3A_29 = tpu.memref_slice %arg9[%add3A_13, %dma_start3A] : memref<20480x16xf32, #tpu.memory_space<hbm>> -> memref<640x16xf32, #tpu.memory_space<hbm>>
      %dma_start3A_30 = arith.constant 0 : i32
      %dma_start3A_31 = tpu.memref_slice %arg18[%mul3A_28, %dma_start3A_30] : memref<10240x16xf32, #tpu.memory_space<vmem_shared>> -> memref<640x16xf32, #tpu.memory_space<vmem_shared>>
      tpu.enqueue_dma source(%dma_start3A_31 : memref<640x16xf32, #tpu.memory_space<vmem_shared>>) target(%dma_start3A_29 : memref<640x16xf32, #tpu.memory_space<hbm>>) target_semaphore(%run_scoped3A : memref<!tpu.dma_semaphore, #tpu.memory_space<semaphore_mem>>)
      %dma_wait3A = arith.constant 0 : i32
      %dma_wait3A_32 = tpu.memref_slice %arg9[%add3A_13, %dma_wait3A] : memref<20480x16xf32, #tpu.memory_space<hbm>> -> memref<640x16xf32, #tpu.memory_space<hbm>>
      %dma_wait3A_33 = arith.constant 0 : i32
      %dma_wait3A_34 = tpu.memref_slice %arg18[%mul3A_28, %dma_wait3A_33] : memref<10240x16xf32, #tpu.memory_space<vmem_shared>> -> memref<640x16xf32, #tpu.memory_space<vmem_shared>>
      tpu.wait_dma2 semaphore(%run_scoped3A : memref<!tpu.dma_semaphore, #tpu.memory_space<semaphore_mem>>) src(%dma_wait3A_34 : memref<640x16xf32, #tpu.memory_space<vmem_shared>>) dst(%dma_wait3A_32 : memref<640x16xf32, #tpu.memory_space<hbm>>)
      tpu.yield
    }) : () -> ()
    return
  }
}

#map = affine_map<(d0, d1) -> (0, 0)>
module attributes {stable_mosaic.version = 14 : i64} {
  func.func @body(%arg0: i32, %arg1: i32, %arg2: memref<10240x128xf32, #tpu.memory_space<hbm>>, %arg3: memref<5120x64xi32, #tpu.memory_space<hbm>>, %arg4: memref<5120x64xi32, #tpu.memory_space<hbm>>, %arg5: memref<640x128xf32, #tpu.memory_space<hbm>>, %arg6: memref<640x16xf32, #tpu.memory_space<hbm>>, %arg7: memref<64x16xf32, #tpu.memory_space<hbm>>, %arg8: memref<20480x128xf32, #tpu.memory_space<hbm>>, %arg9: memref<80x64xi32, #tpu.memory_space<vmem>>, %arg10: memref<80x64xi32, #tpu.memory_space<vmem>>, %arg11: memref<64x128xf32, #tpu.memory_space<vmem>>, %arg12: memref<64x128xf32, #tpu.memory_space<vmem>>, %arg13: memref<10240x128xf32, #tpu.memory_space<vmem_shared>>, %arg14: memref<!tpu.dma_semaphore, #tpu.memory_space<semaphore_mem>>, %arg15: memref<!tpu.dma_semaphore, #tpu.memory_space<semaphore_mem>>) attributes {dimension_semantics = [#tpu.dimension_semantics<core_parallel>, #tpu.dimension_semantics<subcore_parallel>], iteration_bounds = array<i64: 2, 16>, scalar_prefetch = 0 : i64, scratch_operands = 7 : i64, tpu.core_type = #tpu.core_type<sc_vector_subcore>, window_params = [{transform_indices = #map}, {transform_indices = #map}, {transform_indices = #map}, {transform_indices = #map}, {transform_indices = #map}, {transform_indices = #map}, {transform_indices = #map}]} {
    %eq3A = arith.constant 0 : i32
    %eq3A_0 = arith.cmpi eq, %arg0, %eq3A : i32
    %jit3A = arith.constant 3 : i32
    %jit3A_1 = arith.constant 1 : i32
    %select_n3A = arith.select %eq3A_0, %jit3A, %jit3A_1 : i32
    %eq3A_2 = arith.constant 0 : i32
    %eq3A_3 = arith.cmpi eq, %arg0, %eq3A_2 : i32
    %mul3A = arith.constant 240 : i32
    %mul3A_4 = arith.muli %arg1, %mul3A : i32
    %mul3A_5 = arith.constant 80 : i32
    %mul3A_6 = arith.muli %arg1, %mul3A_5 : i32
    %add3A = arith.constant 3840 : i32
    %add3A_7 = arith.addi %add3A, %mul3A_6 : i32
    %select_n3A_8 = arith.select %eq3A_3, %mul3A_4, %add3A_7 : i32
    %mul3A_9 = arith.constant 10240 : i32
    %mul3A_10 = arith.muli %arg0, %mul3A_9 : i32
    %mul3A_11 = arith.constant 640 : i32
    %mul3A_12 = arith.muli %arg1, %mul3A_11 : i32
    %add3A_13 = arith.addi %mul3A_10, %mul3A_12 : i32
    %mul3A_14 = arith.constant 640 : i32
    %mul3A_15 = arith.muli %arg1, %mul3A_14 : i32
    "tpu.region"() ({
      %run_scoped3A = tpu.sem_alloc : memref<!tpu.dma_semaphore, #tpu.memory_space<semaphore_mem>>
      %dma_start3A = arith.constant 0 : i32
      %dma_start3A_25 = tpu.memref_slice %arg13[%mul3A_15, %dma_start3A] : memref<10240x128xf32, #tpu.memory_space<vmem_shared>> -> memref<640x128xf32, #tpu.memory_space<vmem_shared>>
      tpu.enqueue_dma source(%arg5 : memref<640x128xf32, #tpu.memory_space<hbm>>) target(%dma_start3A_25 : memref<640x128xf32, #tpu.memory_space<vmem_shared>>) target_semaphore(%run_scoped3A : memref<!tpu.dma_semaphore, #tpu.memory_space<semaphore_mem>>)
      %dma_wait3A = arith.constant 0 : i32
      %dma_wait3A_26 = tpu.memref_slice %arg13[%mul3A_15, %dma_wait3A] : memref<10240x128xf32, #tpu.memory_space<vmem_shared>> -> memref<640x128xf32, #tpu.memory_space<vmem_shared>>
      tpu.wait_dma2 semaphore(%run_scoped3A : memref<!tpu.dma_semaphore, #tpu.memory_space<semaphore_mem>>) src(%arg5 : memref<640x128xf32, #tpu.memory_space<hbm>>) dst(%dma_wait3A_26 : memref<640x128xf32, #tpu.memory_space<vmem_shared>>)
      tpu.yield
    }) : () -> ()
    %barrier3A = arith.constant 0 : index
    tpu.barrier barrier_id(%barrier3A)
    %scan3A = arith.constant 0 : i32
    %scan3A_16 = arith.constant 0 : i32
    %scan3A_17 = arith.constant 3 : i32
    %scan3A_18 = arith.addi %scan3A_16, %scan3A_17 : i32
    %scan3A_19 = arith.constant 1 : i32
    %scan3A_20 = scf.for %scan3A_25 = %scan3A_16 to %scan3A_18 step %scan3A_19 iter_args(%scan3A_26 = %scan3A) -> (i32)  : i32 {
      %lt3A = arith.cmpi slt, %scan3A_25, %select_n3A : i32
      %convert_element_type3A = arith.extui %lt3A : i1 to i32
      %cond3A = arith.constant 0 : i32
      %cond3A_27 = arith.cmpi ne, %convert_element_type3A, %cond3A : i32
      scf.if %cond3A_27 {
        %mul3A_29 = arith.constant 80 : i32
        %mul3A_30 = arith.muli %scan3A_25, %mul3A_29 : i32
        %add3A_31 = arith.addi %select_n3A_8, %mul3A_30 : i32
        "tpu.region"() ({
          %run_scoped3A = tpu.sem_alloc : memref<!tpu.dma_semaphore, #tpu.memory_space<semaphore_mem>>
          %dma_start3A_52 = arith.constant 0 : i32
          %dma_start3A_53 = tpu.memref_slice %arg3[%add3A_31, %dma_start3A_52] : memref<5120x64xi32, #tpu.memory_space<hbm>> -> memref<80x64xi32, #tpu.memory_space<hbm>>
          %dma_start3A_54 = arith.constant 0 : i32
          %dma_start3A_55 = tpu.memref_slice %arg3[%add3A_31, %dma_start3A_54] : memref<5120x64xi32, #tpu.memory_space<hbm>> -> memref<80x64xi32, #tpu.memory_space<hbm>>
          tpu.enqueue_dma source(%dma_start3A_55 : memref<80x64xi32, #tpu.memory_space<hbm>>) target(%arg9 : memref<80x64xi32, #tpu.memory_space<vmem>>) target_semaphore(%run_scoped3A : memref<!tpu.dma_semaphore, #tpu.memory_space<semaphore_mem>>)
          %dma_wait3A = arith.constant 0 : i32
          %dma_wait3A_56 = tpu.memref_slice %arg3[%add3A_31, %dma_wait3A] : memref<5120x64xi32, #tpu.memory_space<hbm>> -> memref<80x64xi32, #tpu.memory_space<hbm>>
          %dma_wait3A_57 = arith.constant 0 : i32
          %dma_wait3A_58 = tpu.memref_slice %arg3[%add3A_31, %dma_wait3A_57] : memref<5120x64xi32, #tpu.memory_space<hbm>> -> memref<80x64xi32, #tpu.memory_space<hbm>>
          tpu.wait_dma2 semaphore(%run_scoped3A : memref<!tpu.dma_semaphore, #tpu.memory_space<semaphore_mem>>) src(%dma_wait3A_58 : memref<80x64xi32, #tpu.memory_space<hbm>>) dst(%arg9 : memref<80x64xi32, #tpu.memory_space<vmem>>)
          tpu.yield
        }) : () -> ()
        "tpu.region"() ({
          %run_scoped3A = tpu.sem_alloc : memref<!tpu.dma_semaphore, #tpu.memory_space<semaphore_mem>>
          %dma_start3A_52 = arith.constant 0 : i32
          %dma_start3A_53 = tpu.memref_slice %arg4[%add3A_31, %dma_start3A_52] : memref<5120x64xi32, #tpu.memory_space<hbm>> -> memref<80x64xi32, #tpu.memory_space<hbm>>
          %dma_start3A_54 = arith.constant 0 : i32
          %dma_start3A_55 = tpu.memref_slice %arg4[%add3A_31, %dma_start3A_54] : memref<5120x64xi32, #tpu.memory_space<hbm>> -> memref<80x64xi32, #tpu.memory_space<hbm>>
          tpu.enqueue_dma source(%dma_start3A_55 : memref<80x64xi32, #tpu.memory_space<hbm>>) target(%arg10 : memref<80x64xi32, #tpu.memory_space<vmem>>) target_semaphore(%run_scoped3A : memref<!tpu.dma_semaphore, #tpu.memory_space<semaphore_mem>>)
          %dma_wait3A = arith.constant 0 : i32
          %dma_wait3A_56 = tpu.memref_slice %arg4[%add3A_31, %dma_wait3A] : memref<5120x64xi32, #tpu.memory_space<hbm>> -> memref<80x64xi32, #tpu.memory_space<hbm>>
          %dma_wait3A_57 = arith.constant 0 : i32
          %dma_wait3A_58 = tpu.memref_slice %arg4[%add3A_31, %dma_wait3A_57] : memref<5120x64xi32, #tpu.memory_space<hbm>> -> memref<80x64xi32, #tpu.memory_space<hbm>>
          tpu.wait_dma2 semaphore(%run_scoped3A : memref<!tpu.dma_semaphore, #tpu.memory_space<semaphore_mem>>) src(%dma_wait3A_58 : memref<80x64xi32, #tpu.memory_space<hbm>>) dst(%arg10 : memref<80x64xi32, #tpu.memory_space<vmem>>)
          tpu.yield
        }) : () -> ()
        %dma_start3A = arith.constant 0 : i32
        %dma_start3A_32 = arith.constant 0 : i32
        %dma_start3A_33 = tpu.memref_slice %arg9[%dma_start3A, %dma_start3A_32] : memref<80x64xi32, #tpu.memory_space<vmem>> -> memref<1x64xi32, #tpu.memory_space<vmem>>
        %dma_start3A_34 = tpu.memref_squeeze %dma_start3A_33 : memref<1x64xi32, #tpu.memory_space<vmem>> -> memref<64xi32, #tpu.memory_space<vmem>>
        %dma_start3A_35 = arith.constant 0 : i32
        %dma_start3A_36 = arith.constant 0 : i32
        %dma_start3A_37 = tpu.memref_slice %arg2[%dma_start3A_35, %dma_start3A_36] : memref<10240x128xf32, #tpu.memory_space<hbm>> -> memref<10240x128xf32, #tpu.memory_space<hbm>>
        tpu.enqueue_indirect_dma source(%dma_start3A_37 : memref<10240x128xf32, #tpu.memory_space<hbm>>) target(%arg11 : memref<64x128xf32, #tpu.memory_space<vmem>>) offsets(%dma_start3A_34 : memref<64xi32, #tpu.memory_space<vmem>>) semaphore(%arg14 : memref<!tpu.dma_semaphore, #tpu.memory_space<semaphore_mem>>)
        %dma_start3A_38 = arith.constant 1 : i32
        %dma_start3A_39 = arith.constant 0 : i32
        %dma_start3A_40 = tpu.memref_slice %arg9[%dma_start3A_38, %dma_start3A_39] : memref<80x64xi32, #tpu.memory_space<vmem>> -> memref<1x64xi32, #tpu.memory_space<vmem>>
        %dma_start3A_41 = tpu.memref_squeeze %dma_start3A_40 : memref<1x64xi32, #tpu.memory_space<vmem>> -> memref<64xi32, #tpu.memory_space<vmem>>
        %dma_start3A_42 = arith.constant 0 : i32
        %dma_start3A_43 = arith.constant 0 : i32
        %dma_start3A_44 = tpu.memref_slice %arg2[%dma_start3A_42, %dma_start3A_43] : memref<10240x128xf32, #tpu.memory_space<hbm>> -> memref<10240x128xf32, #tpu.memory_space<hbm>>
        tpu.enqueue_indirect_dma source(%dma_start3A_44 : memref<10240x128xf32, #tpu.memory_space<hbm>>) target(%arg12 : memref<64x128xf32, #tpu.memory_space<vmem>>) offsets(%dma_start3A_41 : memref<64xi32, #tpu.memory_space<vmem>>) semaphore(%arg15 : memref<!tpu.dma_semaphore, #tpu.memory_space<semaphore_mem>>)
        %scan3A_45 = arith.constant 0 : i32
        %scan3A_46 = arith.constant 0 : i32
        %scan3A_47 = arith.constant 40 : i32
        %scan3A_48 = arith.addi %scan3A_46, %scan3A_47 : i32
        %scan3A_49 = arith.constant 1 : i32
        %scan3A_50 = scf.for %scan3A_52 = %scan3A_46 to %scan3A_48 step %scan3A_49 iter_args(%scan3A_53 = %scan3A_45) -> (i32)  : i32 {
          %mul3A_54 = arith.constant 2 : i32
          %mul3A_55 = arith.muli %mul3A_54, %scan3A_52 : i32
          %dma_wait3A = arith.constant 0 : i32
          %dma_wait3A_56 = arith.constant 0 : i32
          %dma_wait3A_57 = tpu.memref_slice %arg2[%dma_wait3A, %dma_wait3A_56] : memref<10240x128xf32, #tpu.memory_space<hbm>> -> memref<64x128xf32, #tpu.memory_space<hbm>>
          %dma_wait3A_58 = arith.constant 0 : i32
          %dma_wait3A_59 = arith.constant 0 : i32
          %dma_wait3A_60 = tpu.memref_slice %arg2[%dma_wait3A_58, %dma_wait3A_59] : memref<10240x128xf32, #tpu.memory_space<hbm>> -> memref<64x128xf32, #tpu.memory_space<hbm>>
          tpu.wait_dma2 semaphore(%arg14 : memref<!tpu.dma_semaphore, #tpu.memory_space<semaphore_mem>>) src(%dma_wait3A_60 : memref<64x128xf32, #tpu.memory_space<hbm>>) dst(%arg11 : memref<64x128xf32, #tpu.memory_space<vmem>>)
          "tpu.region"() ({
            %run_scoped3A = tpu.sem_alloc : memref<!tpu.dma_semaphore, #tpu.memory_space<semaphore_mem>>
            %dma_start3A_80 = arith.constant 0 : i32
            %dma_start3A_81 = tpu.memref_slice %arg10[%mul3A_55, %dma_start3A_80] : memref<80x64xi32, #tpu.memory_space<vmem>> -> memref<1x64xi32, #tpu.memory_space<vmem>>
            %dma_start3A_82 = tpu.memref_squeeze %dma_start3A_81 : memref<1x64xi32, #tpu.memory_space<vmem>> -> memref<64xi32, #tpu.memory_space<vmem>>
            %dma_start3A_83 = arith.constant 0 : i32
            %dma_start3A_84 = arith.constant 0 : i32
            %dma_start3A_85 = tpu.memref_slice %arg13[%dma_start3A_83, %dma_start3A_84] : memref<10240x128xf32, #tpu.memory_space<vmem_shared>> -> memref<10240x128xf32, #tpu.memory_space<vmem_shared>>
            tpu.enqueue_indirect_dma source(%arg11 : memref<64x128xf32, #tpu.memory_space<vmem>>) target(%dma_start3A_85 : memref<10240x128xf32, #tpu.memory_space<vmem_shared>>) offsets(%dma_start3A_82 : memref<64xi32, #tpu.memory_space<vmem>>) semaphore(%run_scoped3A : memref<!tpu.dma_semaphore, #tpu.memory_space<semaphore_mem>>) {add = true}
            %dma_wait3A_86 = arith.constant 0 : i32
            %dma_wait3A_87 = tpu.memref_slice %arg10[%mul3A_55, %dma_wait3A_86] : memref<80x64xi32, #tpu.memory_space<vmem>> -> memref<1x64xi32, #tpu.memory_space<vmem>>
            %dma_wait3A_88 = tpu.memref_squeeze %dma_wait3A_87 : memref<1x64xi32, #tpu.memory_space<vmem>> -> memref<64xi32, #tpu.memory_space<vmem>>
            %dma_wait3A_89 = arith.constant 0 : i32
            %dma_wait3A_90 = arith.constant 0 : i32
            %dma_wait3A_91 = tpu.memref_slice %arg13[%dma_wait3A_89, %dma_wait3A_90] : memref<10240x128xf32, #tpu.memory_space<vmem_shared>> -> memref<10240x128xf32, #tpu.memory_space<vmem_shared>>
            tpu.wait_indirect_dma semaphore(%run_scoped3A : memref<!tpu.dma_semaphore, #tpu.memory_space<semaphore_mem>>) src(%arg11 : memref<64x128xf32, #tpu.memory_space<vmem>>) dst(%dma_wait3A_91 : memref<10240x128xf32, #tpu.memory_space<vmem_shared>>)
            tpu.yield
          }) : () -> ()
          %lt3A_61 = arith.constant 39 : i32
          %lt3A_62 = arith.cmpi slt, %scan3A_52, %lt3A_61 : i32
          %convert_element_type3A_63 = arith.extui %lt3A_62 : i1 to i32
          %cond3A_64 = arith.constant 0 : i32
          %cond3A_65 = arith.cmpi ne, %convert_element_type3A_63, %cond3A_64 : i32
          scf.if %cond3A_65 {
            %add3A_80 = arith.constant 2 : i32
            %add3A_81 = arith.addi %mul3A_55, %add3A_80 : i32
            %dma_start3A_82 = arith.constant 0 : i32
            %dma_start3A_83 = tpu.memref_slice %arg9[%add3A_81, %dma_start3A_82] : memref<80x64xi32, #tpu.memory_space<vmem>> -> memref<1x64xi32, #tpu.memory_space<vmem>>
            %dma_start3A_84 = tpu.memref_squeeze %dma_start3A_83 : memref<1x64xi32, #tpu.memory_space<vmem>> -> memref<64xi32, #tpu.memory_space<vmem>>
            %dma_start3A_85 = arith.constant 0 : i32
            %dma_start3A_86 = arith.constant 0 : i32
            %dma_start3A_87 = tpu.memref_slice %arg2[%dma_start3A_85, %dma_start3A_86] : memref<10240x128xf32, #tpu.memory_space<hbm>> -> memref<10240x128xf32, #tpu.memory_space<hbm>>
            tpu.enqueue_indirect_dma source(%dma_start3A_87 : memref<10240x128xf32, #tpu.memory_space<hbm>>) target(%arg11 : memref<64x128xf32, #tpu.memory_space<vmem>>) offsets(%dma_start3A_84 : memref<64xi32, #tpu.memory_space<vmem>>) semaphore(%arg14 : memref<!tpu.dma_semaphore, #tpu.memory_space<semaphore_mem>>)
          } else {
          }
          %add3A_66 = arith.constant 1 : i32
          %add3A_67 = arith.addi %mul3A_55, %add3A_66 : i32
          %dma_wait3A_68 = arith.constant 0 : i32
          %dma_wait3A_69 = arith.constant 0 : i32
          %dma_wait3A_70 = tpu.memref_slice %arg2[%dma_wait3A_68, %dma_wait3A_69] : memref<10240x128xf32, #tpu.memory_space<hbm>> -> memref<64x128xf32, #tpu.memory_space<hbm>>
          %dma_wait3A_71 = arith.constant 0 : i32
          %dma_wait3A_72 = arith.constant 0 : i32
          %dma_wait3A_73 = tpu.memref_slice %arg2[%dma_wait3A_71, %dma_wait3A_72] : memref<10240x128xf32, #tpu.memory_space<hbm>> -> memref<64x128xf32, #tpu.memory_space<hbm>>
          tpu.wait_dma2 semaphore(%arg15 : memref<!tpu.dma_semaphore, #tpu.memory_space<semaphore_mem>>) src(%dma_wait3A_73 : memref<64x128xf32, #tpu.memory_space<hbm>>) dst(%arg12 : memref<64x128xf32, #tpu.memory_space<vmem>>)
          "tpu.region"() ({
            %run_scoped3A = tpu.sem_alloc : memref<!tpu.dma_semaphore, #tpu.memory_space<semaphore_mem>>
            %dma_start3A_80 = arith.constant 0 : i32
            %dma_start3A_81 = tpu.memref_slice %arg10[%add3A_67, %dma_start3A_80] : memref<80x64xi32, #tpu.memory_space<vmem>> -> memref<1x64xi32, #tpu.memory_space<vmem>>
            %dma_start3A_82 = tpu.memref_squeeze %dma_start3A_81 : memref<1x64xi32, #tpu.memory_space<vmem>> -> memref<64xi32, #tpu.memory_space<vmem>>
            %dma_start3A_83 = arith.constant 0 : i32
            %dma_start3A_84 = arith.constant 0 : i32
            %dma_start3A_85 = tpu.memref_slice %arg13[%dma_start3A_83, %dma_start3A_84] : memref<10240x128xf32, #tpu.memory_space<vmem_shared>> -> memref<10240x128xf32, #tpu.memory_space<vmem_shared>>
            tpu.enqueue_indirect_dma source(%arg12 : memref<64x128xf32, #tpu.memory_space<vmem>>) target(%dma_start3A_85 : memref<10240x128xf32, #tpu.memory_space<vmem_shared>>) offsets(%dma_start3A_82 : memref<64xi32, #tpu.memory_space<vmem>>) semaphore(%run_scoped3A : memref<!tpu.dma_semaphore, #tpu.memory_space<semaphore_mem>>) {add = true}
            %dma_wait3A_86 = arith.constant 0 : i32
            %dma_wait3A_87 = tpu.memref_slice %arg10[%add3A_67, %dma_wait3A_86] : memref<80x64xi32, #tpu.memory_space<vmem>> -> memref<1x64xi32, #tpu.memory_space<vmem>>
            %dma_wait3A_88 = tpu.memref_squeeze %dma_wait3A_87 : memref<1x64xi32, #tpu.memory_space<vmem>> -> memref<64xi32, #tpu.memory_space<vmem>>
            %dma_wait3A_89 = arith.constant 0 : i32
            %dma_wait3A_90 = arith.constant 0 : i32
            %dma_wait3A_91 = tpu.memref_slice %arg13[%dma_wait3A_89, %dma_wait3A_90] : memref<10240x128xf32, #tpu.memory_space<vmem_shared>> -> memref<10240x128xf32, #tpu.memory_space<vmem_shared>>
            tpu.wait_indirect_dma semaphore(%run_scoped3A : memref<!tpu.dma_semaphore, #tpu.memory_space<semaphore_mem>>) src(%arg12 : memref<64x128xf32, #tpu.memory_space<vmem>>) dst(%dma_wait3A_91 : memref<10240x128xf32, #tpu.memory_space<vmem_shared>>)
            tpu.yield
          }) : () -> ()
          %lt3A_74 = arith.constant 39 : i32
          %lt3A_75 = arith.cmpi slt, %scan3A_52, %lt3A_74 : i32
          %convert_element_type3A_76 = arith.extui %lt3A_75 : i1 to i32
          %cond3A_77 = arith.constant 0 : i32
          %cond3A_78 = arith.cmpi ne, %convert_element_type3A_76, %cond3A_77 : i32
          scf.if %cond3A_78 {
            %add3A_80 = arith.constant 3 : i32
            %add3A_81 = arith.addi %mul3A_55, %add3A_80 : i32
            %dma_start3A_82 = arith.constant 0 : i32
            %dma_start3A_83 = tpu.memref_slice %arg9[%add3A_81, %dma_start3A_82] : memref<80x64xi32, #tpu.memory_space<vmem>> -> memref<1x64xi32, #tpu.memory_space<vmem>>
            %dma_start3A_84 = tpu.memref_squeeze %dma_start3A_83 : memref<1x64xi32, #tpu.memory_space<vmem>> -> memref<64xi32, #tpu.memory_space<vmem>>
            %dma_start3A_85 = arith.constant 0 : i32
            %dma_start3A_86 = arith.constant 0 : i32
            %dma_start3A_87 = tpu.memref_slice %arg2[%dma_start3A_85, %dma_start3A_86] : memref<10240x128xf32, #tpu.memory_space<hbm>> -> memref<10240x128xf32, #tpu.memory_space<hbm>>
            tpu.enqueue_indirect_dma source(%dma_start3A_87 : memref<10240x128xf32, #tpu.memory_space<hbm>>) target(%arg12 : memref<64x128xf32, #tpu.memory_space<vmem>>) offsets(%dma_start3A_84 : memref<64xi32, #tpu.memory_space<vmem>>) semaphore(%arg15 : memref<!tpu.dma_semaphore, #tpu.memory_space<semaphore_mem>>)
          } else {
          }
          %scan3A_79 = arith.constant 0 : i32
          scf.yield %scan3A_79 : i32
        }
        %scan3A_51 = arith.constant 40 : i32
      } else {
      }
      %scan3A_28 = arith.constant 0 : i32
      scf.yield %scan3A_28 : i32
    }
    %scan3A_21 = arith.constant 3 : i32
    %barrier3A_22 = arith.constant 0 : index
    tpu.barrier barrier_id(%barrier3A_22)
    %mul3A_23 = arith.constant 640 : i32
    %mul3A_24 = arith.muli %arg1, %mul3A_23 : i32
    "tpu.region"() ({
      %run_scoped3A = tpu.sem_alloc : memref<!tpu.dma_semaphore, #tpu.memory_space<semaphore_mem>>
      %dma_start3A = arith.constant 0 : i32
      %dma_start3A_25 = tpu.memref_slice %arg8[%add3A_13, %dma_start3A] : memref<20480x128xf32, #tpu.memory_space<hbm>> -> memref<640x128xf32, #tpu.memory_space<hbm>>
      %dma_start3A_26 = arith.constant 0 : i32
      %dma_start3A_27 = tpu.memref_slice %arg13[%mul3A_24, %dma_start3A_26] : memref<10240x128xf32, #tpu.memory_space<vmem_shared>> -> memref<640x128xf32, #tpu.memory_space<vmem_shared>>
      tpu.enqueue_dma source(%dma_start3A_27 : memref<640x128xf32, #tpu.memory_space<vmem_shared>>) target(%dma_start3A_25 : memref<640x128xf32, #tpu.memory_space<hbm>>) target_semaphore(%run_scoped3A : memref<!tpu.dma_semaphore, #tpu.memory_space<semaphore_mem>>)
      %dma_wait3A = arith.constant 0 : i32
      %dma_wait3A_28 = tpu.memref_slice %arg8[%add3A_13, %dma_wait3A] : memref<20480x128xf32, #tpu.memory_space<hbm>> -> memref<640x128xf32, #tpu.memory_space<hbm>>
      %dma_wait3A_29 = arith.constant 0 : i32
      %dma_wait3A_30 = tpu.memref_slice %arg13[%mul3A_24, %dma_wait3A_29] : memref<10240x128xf32, #tpu.memory_space<vmem_shared>> -> memref<640x128xf32, #tpu.memory_space<vmem_shared>>
      tpu.wait_dma2 semaphore(%run_scoped3A : memref<!tpu.dma_semaphore, #tpu.memory_space<semaphore_mem>>) src(%dma_wait3A_30 : memref<640x128xf32, #tpu.memory_space<vmem_shared>>) dst(%dma_wait3A_28 : memref<640x128xf32, #tpu.memory_space<hbm>>)
      tpu.yield
    }) : () -> ()
    return
  }
}

#map = affine_map<(d0, d1) -> (0, 0)>
module attributes {stable_mosaic.version = 14 : i64} {
  func.func @body(%arg0: i32, %arg1: i32, %arg2: memref<10240x128xf32, #tpu.memory_space<hbm>>, %arg3: memref<5120x64xi32, #tpu.memory_space<hbm>>, %arg4: memref<5120x64xi32, #tpu.memory_space<hbm>>, %arg5: memref<640x128xf32, #tpu.memory_space<hbm>>, %arg6: memref<640x16xf32, #tpu.memory_space<hbm>>, %arg7: memref<64x16xf32, #tpu.memory_space<hbm>>, %arg8: memref<20480x128xf32, #tpu.memory_space<hbm>>, %arg9: memref<80x64xi32, #tpu.memory_space<vmem>>, %arg10: memref<80x64xi32, #tpu.memory_space<vmem>>, %arg11: memref<64x128xf32, #tpu.memory_space<vmem>>, %arg12: memref<64x128xf32, #tpu.memory_space<vmem>>, %arg13: memref<10240x128xf32, #tpu.memory_space<vmem_shared>>, %arg14: memref<!tpu.dma_semaphore, #tpu.memory_space<semaphore_mem>>, %arg15: memref<!tpu.dma_semaphore, #tpu.memory_space<semaphore_mem>>) attributes {dimension_semantics = [#tpu.dimension_semantics<core_parallel>, #tpu.dimension_semantics<subcore_parallel>], iteration_bounds = array<i64: 2, 16>, scalar_prefetch = 0 : i64, scratch_operands = 7 : i64, tpu.core_type = #tpu.core_type<sc_vector_subcore>, window_params = [{transform_indices = #map}, {transform_indices = #map}, {transform_indices = #map}, {transform_indices = #map}, {transform_indices = #map}, {transform_indices = #map}, {transform_indices = #map}]} {
    %eq3A = arith.constant 0 : i32
    %eq3A_0 = arith.cmpi eq, %arg0, %eq3A : i32
    %jit3A = arith.constant 3 : i32
    %jit3A_1 = arith.constant 1 : i32
    %select_n3A = arith.select %eq3A_0, %jit3A, %jit3A_1 : i32
    %eq3A_2 = arith.constant 0 : i32
    %eq3A_3 = arith.cmpi eq, %arg0, %eq3A_2 : i32
    %mul3A = arith.constant 240 : i32
    %mul3A_4 = arith.muli %arg1, %mul3A : i32
    %mul3A_5 = arith.constant 80 : i32
    %mul3A_6 = arith.muli %arg1, %mul3A_5 : i32
    %add3A = arith.constant 3840 : i32
    %add3A_7 = arith.addi %add3A, %mul3A_6 : i32
    %select_n3A_8 = arith.select %eq3A_3, %mul3A_4, %add3A_7 : i32
    %mul3A_9 = arith.constant 10240 : i32
    %mul3A_10 = arith.muli %arg0, %mul3A_9 : i32
    %mul3A_11 = arith.constant 640 : i32
    %mul3A_12 = arith.muli %arg1, %mul3A_11 : i32
    %add3A_13 = arith.addi %mul3A_10, %mul3A_12 : i32
    %mul3A_14 = arith.constant 640 : i32
    %mul3A_15 = arith.muli %arg1, %mul3A_14 : i32
    "tpu.region"() ({
      %run_scoped3A = tpu.sem_alloc : memref<!tpu.dma_semaphore, #tpu.memory_space<semaphore_mem>>
      %dma_start3A = arith.constant 0 : i32
      %dma_start3A_25 = tpu.memref_slice %arg13[%mul3A_15, %dma_start3A] : memref<10240x128xf32, #tpu.memory_space<vmem_shared>> -> memref<640x128xf32, #tpu.memory_space<vmem_shared>>
      tpu.enqueue_dma source(%arg5 : memref<640x128xf32, #tpu.memory_space<hbm>>) target(%dma_start3A_25 : memref<640x128xf32, #tpu.memory_space<vmem_shared>>) target_semaphore(%run_scoped3A : memref<!tpu.dma_semaphore, #tpu.memory_space<semaphore_mem>>)
      %dma_wait3A = arith.constant 0 : i32
      %dma_wait3A_26 = tpu.memref_slice %arg13[%mul3A_15, %dma_wait3A] : memref<10240x128xf32, #tpu.memory_space<vmem_shared>> -> memref<640x128xf32, #tpu.memory_space<vmem_shared>>
      tpu.wait_dma2 semaphore(%run_scoped3A : memref<!tpu.dma_semaphore, #tpu.memory_space<semaphore_mem>>) src(%arg5 : memref<640x128xf32, #tpu.memory_space<hbm>>) dst(%dma_wait3A_26 : memref<640x128xf32, #tpu.memory_space<vmem_shared>>)
      tpu.yield
    }) : () -> ()
    %barrier3A = arith.constant 0 : index
    tpu.barrier barrier_id(%barrier3A)
    %scan3A = arith.constant 0 : i32
    %scan3A_16 = arith.constant 0 : i32
    %scan3A_17 = arith.constant 3 : i32
    %scan3A_18 = arith.addi %scan3A_16, %scan3A_17 : i32
    %scan3A_19 = arith.constant 1 : i32
    %scan3A_20 = scf.for %scan3A_25 = %scan3A_16 to %scan3A_18 step %scan3A_19 iter_args(%scan3A_26 = %scan3A) -> (i32)  : i32 {
      %lt3A = arith.cmpi slt, %scan3A_25, %select_n3A : i32
      %convert_element_type3A = arith.extui %lt3A : i1 to i32
      %cond3A = arith.constant 0 : i32
      %cond3A_27 = arith.cmpi ne, %convert_element_type3A, %cond3A : i32
      scf.if %cond3A_27 {
        %mul3A_29 = arith.constant 80 : i32
        %mul3A_30 = arith.muli %scan3A_25, %mul3A_29 : i32
        %add3A_31 = arith.addi %select_n3A_8, %mul3A_30 : i32
        "tpu.region"() ({
          %run_scoped3A = tpu.sem_alloc : memref<!tpu.dma_semaphore, #tpu.memory_space<semaphore_mem>>
          %dma_start3A_52 = arith.constant 0 : i32
          %dma_start3A_53 = tpu.memref_slice %arg3[%add3A_31, %dma_start3A_52] : memref<5120x64xi32, #tpu.memory_space<hbm>> -> memref<80x64xi32, #tpu.memory_space<hbm>>
          %dma_start3A_54 = arith.constant 0 : i32
          %dma_start3A_55 = tpu.memref_slice %arg3[%add3A_31, %dma_start3A_54] : memref<5120x64xi32, #tpu.memory_space<hbm>> -> memref<80x64xi32, #tpu.memory_space<hbm>>
          tpu.enqueue_dma source(%dma_start3A_55 : memref<80x64xi32, #tpu.memory_space<hbm>>) target(%arg9 : memref<80x64xi32, #tpu.memory_space<vmem>>) target_semaphore(%run_scoped3A : memref<!tpu.dma_semaphore, #tpu.memory_space<semaphore_mem>>)
          %dma_wait3A = arith.constant 0 : i32
          %dma_wait3A_56 = tpu.memref_slice %arg3[%add3A_31, %dma_wait3A] : memref<5120x64xi32, #tpu.memory_space<hbm>> -> memref<80x64xi32, #tpu.memory_space<hbm>>
          %dma_wait3A_57 = arith.constant 0 : i32
          %dma_wait3A_58 = tpu.memref_slice %arg3[%add3A_31, %dma_wait3A_57] : memref<5120x64xi32, #tpu.memory_space<hbm>> -> memref<80x64xi32, #tpu.memory_space<hbm>>
          tpu.wait_dma2 semaphore(%run_scoped3A : memref<!tpu.dma_semaphore, #tpu.memory_space<semaphore_mem>>) src(%dma_wait3A_58 : memref<80x64xi32, #tpu.memory_space<hbm>>) dst(%arg9 : memref<80x64xi32, #tpu.memory_space<vmem>>)
          tpu.yield
        }) : () -> ()
        "tpu.region"() ({
          %run_scoped3A = tpu.sem_alloc : memref<!tpu.dma_semaphore, #tpu.memory_space<semaphore_mem>>
          %dma_start3A_52 = arith.constant 0 : i32
          %dma_start3A_53 = tpu.memref_slice %arg4[%add3A_31, %dma_start3A_52] : memref<5120x64xi32, #tpu.memory_space<hbm>> -> memref<80x64xi32, #tpu.memory_space<hbm>>
          %dma_start3A_54 = arith.constant 0 : i32
          %dma_start3A_55 = tpu.memref_slice %arg4[%add3A_31, %dma_start3A_54] : memref<5120x64xi32, #tpu.memory_space<hbm>> -> memref<80x64xi32, #tpu.memory_space<hbm>>
          tpu.enqueue_dma source(%dma_start3A_55 : memref<80x64xi32, #tpu.memory_space<hbm>>) target(%arg10 : memref<80x64xi32, #tpu.memory_space<vmem>>) target_semaphore(%run_scoped3A : memref<!tpu.dma_semaphore, #tpu.memory_space<semaphore_mem>>)
          %dma_wait3A = arith.constant 0 : i32
          %dma_wait3A_56 = tpu.memref_slice %arg4[%add3A_31, %dma_wait3A] : memref<5120x64xi32, #tpu.memory_space<hbm>> -> memref<80x64xi32, #tpu.memory_space<hbm>>
          %dma_wait3A_57 = arith.constant 0 : i32
          %dma_wait3A_58 = tpu.memref_slice %arg4[%add3A_31, %dma_wait3A_57] : memref<5120x64xi32, #tpu.memory_space<hbm>> -> memref<80x64xi32, #tpu.memory_space<hbm>>
          tpu.wait_dma2 semaphore(%run_scoped3A : memref<!tpu.dma_semaphore, #tpu.memory_space<semaphore_mem>>) src(%dma_wait3A_58 : memref<80x64xi32, #tpu.memory_space<hbm>>) dst(%arg10 : memref<80x64xi32, #tpu.memory_space<vmem>>)
          tpu.yield
        }) : () -> ()
        %dma_start3A = arith.constant 0 : i32
        %dma_start3A_32 = arith.constant 0 : i32
        %dma_start3A_33 = tpu.memref_slice %arg9[%dma_start3A, %dma_start3A_32] : memref<80x64xi32, #tpu.memory_space<vmem>> -> memref<1x64xi32, #tpu.memory_space<vmem>>
        %dma_start3A_34 = tpu.memref_squeeze %dma_start3A_33 : memref<1x64xi32, #tpu.memory_space<vmem>> -> memref<64xi32, #tpu.memory_space<vmem>>
        %dma_start3A_35 = arith.constant 0 : i32
        %dma_start3A_36 = arith.constant 0 : i32
        %dma_start3A_37 = tpu.memref_slice %arg2[%dma_start3A_35, %dma_start3A_36] : memref<10240x128xf32, #tpu.memory_space<hbm>> -> memref<10240x128xf32, #tpu.memory_space<hbm>>
        tpu.enqueue_indirect_dma source(%dma_start3A_37 : memref<10240x128xf32, #tpu.memory_space<hbm>>) target(%arg11 : memref<64x128xf32, #tpu.memory_space<vmem>>) offsets(%dma_start3A_34 : memref<64xi32, #tpu.memory_space<vmem>>) semaphore(%arg14 : memref<!tpu.dma_semaphore, #tpu.memory_space<semaphore_mem>>)
        %dma_start3A_38 = arith.constant 1 : i32
        %dma_start3A_39 = arith.constant 0 : i32
        %dma_start3A_40 = tpu.memref_slice %arg9[%dma_start3A_38, %dma_start3A_39] : memref<80x64xi32, #tpu.memory_space<vmem>> -> memref<1x64xi32, #tpu.memory_space<vmem>>
        %dma_start3A_41 = tpu.memref_squeeze %dma_start3A_40 : memref<1x64xi32, #tpu.memory_space<vmem>> -> memref<64xi32, #tpu.memory_space<vmem>>
        %dma_start3A_42 = arith.constant 0 : i32
        %dma_start3A_43 = arith.constant 0 : i32
        %dma_start3A_44 = tpu.memref_slice %arg2[%dma_start3A_42, %dma_start3A_43] : memref<10240x128xf32, #tpu.memory_space<hbm>> -> memref<10240x128xf32, #tpu.memory_space<hbm>>
        tpu.enqueue_indirect_dma source(%dma_start3A_44 : memref<10240x128xf32, #tpu.memory_space<hbm>>) target(%arg12 : memref<64x128xf32, #tpu.memory_space<vmem>>) offsets(%dma_start3A_41 : memref<64xi32, #tpu.memory_space<vmem>>) semaphore(%arg15 : memref<!tpu.dma_semaphore, #tpu.memory_space<semaphore_mem>>)
        %scan3A_45 = arith.constant 0 : i32
        %scan3A_46 = arith.constant 0 : i32
        %scan3A_47 = arith.constant 40 : i32
        %scan3A_48 = arith.addi %scan3A_46, %scan3A_47 : i32
        %scan3A_49 = arith.constant 1 : i32
        %scan3A_50 = scf.for %scan3A_52 = %scan3A_46 to %scan3A_48 step %scan3A_49 iter_args(%scan3A_53 = %scan3A_45) -> (i32)  : i32 {
          %mul3A_54 = arith.constant 2 : i32
          %mul3A_55 = arith.muli %mul3A_54, %scan3A_52 : i32
          %dma_wait3A = arith.constant 0 : i32
          %dma_wait3A_56 = arith.constant 0 : i32
          %dma_wait3A_57 = tpu.memref_slice %arg2[%dma_wait3A, %dma_wait3A_56] : memref<10240x128xf32, #tpu.memory_space<hbm>> -> memref<64x128xf32, #tpu.memory_space<hbm>>
          %dma_wait3A_58 = arith.constant 0 : i32
          %dma_wait3A_59 = arith.constant 0 : i32
          %dma_wait3A_60 = tpu.memref_slice %arg2[%dma_wait3A_58, %dma_wait3A_59] : memref<10240x128xf32, #tpu.memory_space<hbm>> -> memref<64x128xf32, #tpu.memory_space<hbm>>
          tpu.wait_dma2 semaphore(%arg14 : memref<!tpu.dma_semaphore, #tpu.memory_space<semaphore_mem>>) src(%dma_wait3A_60 : memref<64x128xf32, #tpu.memory_space<hbm>>) dst(%arg11 : memref<64x128xf32, #tpu.memory_space<vmem>>)
          "tpu.region"() ({
            %run_scoped3A = tpu.sem_alloc : memref<!tpu.dma_semaphore, #tpu.memory_space<semaphore_mem>>
            %dma_start3A_80 = arith.constant 0 : i32
            %dma_start3A_81 = tpu.memref_slice %arg10[%mul3A_55, %dma_start3A_80] : memref<80x64xi32, #tpu.memory_space<vmem>> -> memref<1x64xi32, #tpu.memory_space<vmem>>
            %dma_start3A_82 = tpu.memref_squeeze %dma_start3A_81 : memref<1x64xi32, #tpu.memory_space<vmem>> -> memref<64xi32, #tpu.memory_space<vmem>>
            %dma_start3A_83 = arith.constant 0 : i32
            %dma_start3A_84 = arith.constant 0 : i32
            %dma_start3A_85 = tpu.memref_slice %arg13[%dma_start3A_83, %dma_start3A_84] : memref<10240x128xf32, #tpu.memory_space<vmem_shared>> -> memref<10240x128xf32, #tpu.memory_space<vmem_shared>>
            tpu.enqueue_indirect_dma source(%arg11 : memref<64x128xf32, #tpu.memory_space<vmem>>) target(%dma_start3A_85 : memref<10240x128xf32, #tpu.memory_space<vmem_shared>>) offsets(%dma_start3A_82 : memref<64xi32, #tpu.memory_space<vmem>>) semaphore(%run_scoped3A : memref<!tpu.dma_semaphore, #tpu.memory_space<semaphore_mem>>) {add = true}
            %dma_wait3A_86 = arith.constant 0 : i32
            %dma_wait3A_87 = tpu.memref_slice %arg10[%mul3A_55, %dma_wait3A_86] : memref<80x64xi32, #tpu.memory_space<vmem>> -> memref<1x64xi32, #tpu.memory_space<vmem>>
            %dma_wait3A_88 = tpu.memref_squeeze %dma_wait3A_87 : memref<1x64xi32, #tpu.memory_space<vmem>> -> memref<64xi32, #tpu.memory_space<vmem>>
            %dma_wait3A_89 = arith.constant 0 : i32
            %dma_wait3A_90 = arith.constant 0 : i32
            %dma_wait3A_91 = tpu.memref_slice %arg13[%dma_wait3A_89, %dma_wait3A_90] : memref<10240x128xf32, #tpu.memory_space<vmem_shared>> -> memref<10240x128xf32, #tpu.memory_space<vmem_shared>>
            tpu.wait_indirect_dma semaphore(%run_scoped3A : memref<!tpu.dma_semaphore, #tpu.memory_space<semaphore_mem>>) src(%arg11 : memref<64x128xf32, #tpu.memory_space<vmem>>) dst(%dma_wait3A_91 : memref<10240x128xf32, #tpu.memory_space<vmem_shared>>)
            tpu.yield
          }) : () -> ()
          %lt3A_61 = arith.constant 39 : i32
          %lt3A_62 = arith.cmpi slt, %scan3A_52, %lt3A_61 : i32
          %convert_element_type3A_63 = arith.extui %lt3A_62 : i1 to i32
          %cond3A_64 = arith.constant 0 : i32
          %cond3A_65 = arith.cmpi ne, %convert_element_type3A_63, %cond3A_64 : i32
          scf.if %cond3A_65 {
            %add3A_80 = arith.constant 2 : i32
            %add3A_81 = arith.addi %mul3A_55, %add3A_80 : i32
            %dma_start3A_82 = arith.constant 0 : i32
            %dma_start3A_83 = tpu.memref_slice %arg9[%add3A_81, %dma_start3A_82] : memref<80x64xi32, #tpu.memory_space<vmem>> -> memref<1x64xi32, #tpu.memory_space<vmem>>
            %dma_start3A_84 = tpu.memref_squeeze %dma_start3A_83 : memref<1x64xi32, #tpu.memory_space<vmem>> -> memref<64xi32, #tpu.memory_space<vmem>>
            %dma_start3A_85 = arith.constant 0 : i32
            %dma_start3A_86 = arith.constant 0 : i32
            %dma_start3A_87 = tpu.memref_slice %arg2[%dma_start3A_85, %dma_start3A_86] : memref<10240x128xf32, #tpu.memory_space<hbm>> -> memref<10240x128xf32, #tpu.memory_space<hbm>>
            tpu.enqueue_indirect_dma source(%dma_start3A_87 : memref<10240x128xf32, #tpu.memory_space<hbm>>) target(%arg11 : memref<64x128xf32, #tpu.memory_space<vmem>>) offsets(%dma_start3A_84 : memref<64xi32, #tpu.memory_space<vmem>>) semaphore(%arg14 : memref<!tpu.dma_semaphore, #tpu.memory_space<semaphore_mem>>)
          } else {
          }
          %add3A_66 = arith.constant 1 : i32
          %add3A_67 = arith.addi %mul3A_55, %add3A_66 : i32
          %dma_wait3A_68 = arith.constant 0 : i32
          %dma_wait3A_69 = arith.constant 0 : i32
          %dma_wait3A_70 = tpu.memref_slice %arg2[%dma_wait3A_68, %dma_wait3A_69] : memref<10240x128xf32, #tpu.memory_space<hbm>> -> memref<64x128xf32, #tpu.memory_space<hbm>>
          %dma_wait3A_71 = arith.constant 0 : i32
          %dma_wait3A_72 = arith.constant 0 : i32
          %dma_wait3A_73 = tpu.memref_slice %arg2[%dma_wait3A_71, %dma_wait3A_72] : memref<10240x128xf32, #tpu.memory_space<hbm>> -> memref<64x128xf32, #tpu.memory_space<hbm>>
          tpu.wait_dma2 semaphore(%arg15 : memref<!tpu.dma_semaphore, #tpu.memory_space<semaphore_mem>>) src(%dma_wait3A_73 : memref<64x128xf32, #tpu.memory_space<hbm>>) dst(%arg12 : memref<64x128xf32, #tpu.memory_space<vmem>>)
          "tpu.region"() ({
            %run_scoped3A = tpu.sem_alloc : memref<!tpu.dma_semaphore, #tpu.memory_space<semaphore_mem>>
            %dma_start3A_80 = arith.constant 0 : i32
            %dma_start3A_81 = tpu.memref_slice %arg10[%add3A_67, %dma_start3A_80] : memref<80x64xi32, #tpu.memory_space<vmem>> -> memref<1x64xi32, #tpu.memory_space<vmem>>
            %dma_start3A_82 = tpu.memref_squeeze %dma_start3A_81 : memref<1x64xi32, #tpu.memory_space<vmem>> -> memref<64xi32, #tpu.memory_space<vmem>>
            %dma_start3A_83 = arith.constant 0 : i32
            %dma_start3A_84 = arith.constant 0 : i32
            %dma_start3A_85 = tpu.memref_slice %arg13[%dma_start3A_83, %dma_start3A_84] : memref<10240x128xf32, #tpu.memory_space<vmem_shared>> -> memref<10240x128xf32, #tpu.memory_space<vmem_shared>>
            tpu.enqueue_indirect_dma source(%arg12 : memref<64x128xf32, #tpu.memory_space<vmem>>) target(%dma_start3A_85 : memref<10240x128xf32, #tpu.memory_space<vmem_shared>>) offsets(%dma_start3A_82 : memref<64xi32, #tpu.memory_space<vmem>>) semaphore(%run_scoped3A : memref<!tpu.dma_semaphore, #tpu.memory_space<semaphore_mem>>) {add = true}
            %dma_wait3A_86 = arith.constant 0 : i32
            %dma_wait3A_87 = tpu.memref_slice %arg10[%add3A_67, %dma_wait3A_86] : memref<80x64xi32, #tpu.memory_space<vmem>> -> memref<1x64xi32, #tpu.memory_space<vmem>>
            %dma_wait3A_88 = tpu.memref_squeeze %dma_wait3A_87 : memref<1x64xi32, #tpu.memory_space<vmem>> -> memref<64xi32, #tpu.memory_space<vmem>>
            %dma_wait3A_89 = arith.constant 0 : i32
            %dma_wait3A_90 = arith.constant 0 : i32
            %dma_wait3A_91 = tpu.memref_slice %arg13[%dma_wait3A_89, %dma_wait3A_90] : memref<10240x128xf32, #tpu.memory_space<vmem_shared>> -> memref<10240x128xf32, #tpu.memory_space<vmem_shared>>
            tpu.wait_indirect_dma semaphore(%run_scoped3A : memref<!tpu.dma_semaphore, #tpu.memory_space<semaphore_mem>>) src(%arg12 : memref<64x128xf32, #tpu.memory_space<vmem>>) dst(%dma_wait3A_91 : memref<10240x128xf32, #tpu.memory_space<vmem_shared>>)
            tpu.yield
          }) : () -> ()
          %lt3A_74 = arith.constant 39 : i32
          %lt3A_75 = arith.cmpi slt, %scan3A_52, %lt3A_74 : i32
          %convert_element_type3A_76 = arith.extui %lt3A_75 : i1 to i32
          %cond3A_77 = arith.constant 0 : i32
          %cond3A_78 = arith.cmpi ne, %convert_element_type3A_76, %cond3A_77 : i32
          scf.if %cond3A_78 {
            %add3A_80 = arith.constant 3 : i32
            %add3A_81 = arith.addi %mul3A_55, %add3A_80 : i32
            %dma_start3A_82 = arith.constant 0 : i32
            %dma_start3A_83 = tpu.memref_slice %arg9[%add3A_81, %dma_start3A_82] : memref<80x64xi32, #tpu.memory_space<vmem>> -> memref<1x64xi32, #tpu.memory_space<vmem>>
            %dma_start3A_84 = tpu.memref_squeeze %dma_start3A_83 : memref<1x64xi32, #tpu.memory_space<vmem>> -> memref<64xi32, #tpu.memory_space<vmem>>
            %dma_start3A_85 = arith.constant 0 : i32
            %dma_start3A_86 = arith.constant 0 : i32
            %dma_start3A_87 = tpu.memref_slice %arg2[%dma_start3A_85, %dma_start3A_86] : memref<10240x128xf32, #tpu.memory_space<hbm>> -> memref<10240x128xf32, #tpu.memory_space<hbm>>
            tpu.enqueue_indirect_dma source(%dma_start3A_87 : memref<10240x128xf32, #tpu.memory_space<hbm>>) target(%arg12 : memref<64x128xf32, #tpu.memory_space<vmem>>) offsets(%dma_start3A_84 : memref<64xi32, #tpu.memory_space<vmem>>) semaphore(%arg15 : memref<!tpu.dma_semaphore, #tpu.memory_space<semaphore_mem>>)
          } else {
          }
          %scan3A_79 = arith.constant 0 : i32
          scf.yield %scan3A_79 : i32
        }
        %scan3A_51 = arith.constant 40 : i32
      } else {
      }
      %scan3A_28 = arith.constant 0 : i32
      scf.yield %scan3A_28 : i32
    }
    %scan3A_21 = arith.constant 3 : i32
    %barrier3A_22 = arith.constant 0 : index
    tpu.barrier barrier_id(%barrier3A_22)
    %mul3A_23 = arith.constant 640 : i32
    %mul3A_24 = arith.muli %arg1, %mul3A_23 : i32
    "tpu.region"() ({
      %run_scoped3A = tpu.sem_alloc : memref<!tpu.dma_semaphore, #tpu.memory_space<semaphore_mem>>
      %dma_start3A = arith.constant 0 : i32
      %dma_start3A_25 = tpu.memref_slice %arg8[%add3A_13, %dma_start3A] : memref<20480x128xf32, #tpu.memory_space<hbm>> -> memref<640x128xf32, #tpu.memory_space<hbm>>
      %dma_start3A_26 = arith.constant 0 : i32
      %dma_start3A_27 = tpu.memref_slice %arg13[%mul3A_24, %dma_start3A_26] : memref<10240x128xf32, #tpu.memory_space<vmem_shared>> -> memref<640x128xf32, #tpu.memory_space<vmem_shared>>
      tpu.enqueue_dma source(%dma_start3A_27 : memref<640x128xf32, #tpu.memory_space<vmem_shared>>) target(%dma_start3A_25 : memref<640x128xf32, #tpu.memory_space<hbm>>) target_semaphore(%run_scoped3A : memref<!tpu.dma_semaphore, #tpu.memory_space<semaphore_mem>>)
      %dma_wait3A = arith.constant 0 : i32
      %dma_wait3A_28 = tpu.memref_slice %arg8[%add3A_13, %dma_wait3A] : memref<20480x128xf32, #tpu.memory_space<hbm>> -> memref<640x128xf32, #tpu.memory_space<hbm>>
      %dma_wait3A_29 = arith.constant 0 : i32
      %dma_wait3A_30 = tpu.memref_slice %arg13[%mul3A_24, %dma_wait3A_29] : memref<10240x128xf32, #tpu.memory_space<vmem_shared>> -> memref<640x128xf32, #tpu.memory_space<vmem_shared>>
      tpu.wait_dma2 semaphore(%run_scoped3A : memref<!tpu.dma_semaphore, #tpu.memory_space<semaphore_mem>>) src(%dma_wait3A_30 : memref<640x128xf32, #tpu.memory_space<vmem_shared>>) dst(%dma_wait3A_28 : memref<640x128xf32, #tpu.memory_space<hbm>>)
      tpu.yield
    }) : () -> ()
    return
  }
}

module attributes {stable_mosaic.version = 14 : i64} {
  func.func @body(%arg0: i32, %arg1: memref<1280x128xf32, #tpu.memory_space<vmem>>, %arg2: memref<128x128xf32, #tpu.memory_space<vmem>>, %arg3: memref<1x128xf32, #tpu.memory_space<vmem>>, %arg4: memref<1280x128xf32, #tpu.memory_space<vmem>>) attributes {dimension_semantics = [#tpu.dimension_semantics<arbitrary>], iteration_bounds = array<i64: 8>, scalar_prefetch = 0 : i64, scratch_operands = 0 : i64, tpu.core_type = #tpu.core_type<tc>, window_params = [{transform_indices = @transform_0, window_bounds = array<i64: 1280, 128>}, {pipeline_mode = #tpu.pipeline_mode<synchronous>, transform_indices = @transform_1, window_bounds = array<i64: 128, 128>}, {pipeline_mode = #tpu.pipeline_mode<synchronous>, transform_indices = @transform_2, window_bounds = array<i64: 1, 128>}, {transform_indices = @transform_3, window_bounds = array<i64: 1280, 128>}]} {
    %get3A = arith.constant 0 : index
    %get3A_0 = arith.constant 0 : index
    %get3A_1 = vector.load %arg1[%get3A, %get3A_0] : memref<1280x128xf32, #tpu.memory_space<vmem>>, vector<1280x128xf32>
    %get3A_2 = arith.constant 0 : index
    %get3A_3 = arith.constant 0 : index
    %get3A_4 = vector.load %arg2[%get3A_2, %get3A_3] : memref<128x128xf32, #tpu.memory_space<vmem>>, vector<128x128xf32>
    %dot_general3A = arith.constant dense<0.000000e+00> : vector<1280x128xf32>
    %dot_general3A_5 = tpu.matmul %get3A_1, %get3A_4, %dot_general3A {dimension_numbers = #tpu.dot_dimension_numbers<[1], [0], [0], [1], [0, 0, 1, 1], [], []>, transpose_lhs_hint = false} : vector<1280x128xf32>, vector<128x128xf32>, vector<1280x128xf32> -> vector<1280x128xf32>
    %get3A_6 = arith.constant 0 : index
    %get3A_7 = arith.constant 0 : index
    %get3A_8 = vector.load %arg3[%get3A_6, %get3A_7] : memref<1x128xf32, #tpu.memory_space<vmem>>, vector<1x128xf32>
    %add3A = vector.broadcast %get3A_8 : vector<1x128xf32> to vector<1280x128xf32>
    %add3A_9 = arith.addf %dot_general3A_5, %add3A : vector<1280x128xf32>
    %max3A = arith.constant 0.000000e+00 : f32
    %max3A_10 = vector.broadcast %max3A : f32 to vector<1280x128xf32>
    %max3A_11 = arith.maximumf %add3A_9, %max3A_10 : vector<1280x128xf32>
    %swap3A = arith.constant 0 : index
    %swap3A_12 = arith.constant 0 : index
    %swap3A_13 = vector.load %arg4[%swap3A, %swap3A_12] : memref<1280x128xf32, #tpu.memory_space<vmem>>, vector<1280x128xf32>
    tpu.vector_store %arg4[%swap3A, %swap3A_12], %max3A_11 {strides = array<i32>} : memref<1280x128xf32, #tpu.memory_space<vmem>>, vector<1280x128xf32>,
    return
  }
  func.func @transform_0(%arg0: i32) -> (i32, i32) {
    %c0_i32 = arith.constant 0 : i32
    %c0_i32_0 = arith.constant 0 : i32
    return %arg0, %c0_i32 : i32, i32
  }
  func.func @transform_1(%arg0: i32) -> (i32, i32) {
    %c0_i32 = arith.constant 0 : i32
    %c0_i32_0 = arith.constant 0 : i32
    %c0_i32_1 = arith.constant 0 : i32
    return %c0_i32, %c0_i32_0 : i32, i32
  }
  func.func @transform_2(%arg0: i32) -> (i32, i32) {
    %c0_i32 = arith.constant 0 : i32
    %c0_i32_0 = arith.constant 0 : i32
    %c0_i32_1 = arith.constant 0 : i32
    return %c0_i32, %c0_i32_0 : i32, i32
  }
  func.func @transform_3(%arg0: i32) -> (i32, i32) {
    %c0_i32 = arith.constant 0 : i32
    %c0_i32_0 = arith.constant 0 : i32
    return %arg0, %c0_i32 : i32, i32
  }
}

module attributes {stable_mosaic.version = 14 : i64} {
  func.func @body(%arg0: i32, %arg1: memref<2x1280x128xf32, #tpu.memory_space<vmem>>, %arg2: memref<2x1280x16xf32, #tpu.memory_space<vmem>>, %arg3: memref<128x128xf32, #tpu.memory_space<vmem>>, %arg4: memref<1x128xf32, #tpu.memory_space<vmem>>, %arg5: memref<1280x128xf32, #tpu.memory_space<vmem>>) attributes {dimension_semantics = [#tpu.dimension_semantics<arbitrary>], iteration_bounds = array<i64: 8>, scalar_prefetch = 0 : i64, scratch_operands = 0 : i64, tpu.core_type = #tpu.core_type<tc>, window_params = [{transform_indices = @transform_0, window_bounds = array<i64: 2, 1280, 128>}, {transform_indices = @transform_1, window_bounds = array<i64: 2, 1280, 16>}, {pipeline_mode = #tpu.pipeline_mode<synchronous>, transform_indices = @transform_2, window_bounds = array<i64: 128, 128>}, {pipeline_mode = #tpu.pipeline_mode<synchronous>, transform_indices = @transform_3, window_bounds = array<i64: 1, 128>}, {transform_indices = @transform_4, window_bounds = array<i64: 1280, 128>}]} {
    %get3A = arith.constant 0 : index
    %get3A_0 = arith.constant 0 : index
    %get3A_1 = arith.constant 0 : index
    %get3A_2 = vector.load %arg1[%get3A, %get3A_0, %get3A_1] : memref<2x1280x128xf32, #tpu.memory_space<vmem>>, vector<2x1280x128xf32>
    %get3A_3 = arith.constant 0 : index
    %get3A_4 = arith.constant 0 : index
    %get3A_5 = arith.constant 0 : index
    %get3A_6 = vector.load %arg2[%get3A_3, %get3A_4, %get3A_5] : memref<2x1280x16xf32, #tpu.memory_space<vmem>>, vector<2x1280x16xf32>
    %slice3A = vector.extract_strided_slice %get3A_6 {offsets = [0, 0, 0], sizes = [1, 1280, 1], strides = [1, 1, 1]} : vector<2x1280x16xf32> to vector<1x1280x1xf32>
    %squeeze3A = vector.shape_cast %slice3A : vector<1x1280x1xf32> to vector<1280x1xf32>
    %slice3A_7 = vector.extract_strided_slice %get3A_6 {offsets = [1, 0, 0], sizes = [1, 1280, 1], strides = [1, 1, 1]} : vector<2x1280x16xf32> to vector<1x1280x1xf32>
    %squeeze3A_8 = vector.shape_cast %slice3A_7 : vector<1x1280x1xf32> to vector<1280x1xf32>
    %add3A = arith.addf %squeeze3A, %squeeze3A_8 : vector<1280x1xf32>
    %max3A = arith.constant 1.000000e+00 : f32
    %max3A_9 = vector.broadcast %max3A : f32 to vector<1280x1xf32>
    %max3A_10 = arith.maximumf %add3A, %max3A_9 : vector<1280x1xf32>
    %slice3A_11 = vector.extract_strided_slice %get3A_2 {offsets = [0, 0, 0], sizes = [1, 1280, 128], strides = [1, 1, 1]} : vector<2x1280x128xf32> to vector<1x1280x128xf32>
    %squeeze3A_12 = vector.shape_cast %slice3A_11 : vector<1x1280x128xf32> to vector<1280x128xf32>
    %slice3A_13 = vector.extract_strided_slice %get3A_2 {offsets = [1, 0, 0], sizes = [1, 1280, 128], strides = [1, 1, 1]} : vector<2x1280x128xf32> to vector<1x1280x128xf32>
    %squeeze3A_14 = vector.shape_cast %slice3A_13 : vector<1x1280x128xf32> to vector<1280x128xf32>
    %add3A_15 = arith.addf %squeeze3A_12, %squeeze3A_14 : vector<1280x128xf32>
    %div3A = vector.broadcast %max3A_10 : vector<1280x1xf32> to vector<1280x128xf32>
    %div3A_16 = arith.divf %add3A_15, %div3A : vector<1280x128xf32>
    %get3A_17 = arith.constant 0 : index
    %get3A_18 = arith.constant 0 : index
    %get3A_19 = vector.load %arg3[%get3A_17, %get3A_18] : memref<128x128xf32, #tpu.memory_space<vmem>>, vector<128x128xf32>
    %dot_general3A = arith.constant dense<0.000000e+00> : vector<1280x128xf32>
    %dot_general3A_20 = tpu.matmul %div3A_16, %get3A_19, %dot_general3A {dimension_numbers = #tpu.dot_dimension_numbers<[1], [0], [0], [1], [0, 0, 1, 1], [], []>, transpose_lhs_hint = false} : vector<1280x128xf32>, vector<128x128xf32>, vector<1280x128xf32> -> vector<1280x128xf32>
    %get3A_21 = arith.constant 0 : index
    %get3A_22 = arith.constant 0 : index
    %get3A_23 = vector.load %arg4[%get3A_21, %get3A_22] : memref<1x128xf32, #tpu.memory_space<vmem>>, vector<1x128xf32>
    %add3A_24 = vector.broadcast %get3A_23 : vector<1x128xf32> to vector<1280x128xf32>
    %add3A_25 = arith.addf %dot_general3A_20, %add3A_24 : vector<1280x128xf32>
    %max3A_26 = arith.constant 0.000000e+00 : f32
    %max3A_27 = vector.broadcast %max3A_26 : f32 to vector<1280x128xf32>
    %max3A_28 = arith.maximumf %add3A_25, %max3A_27 : vector<1280x128xf32>
    %swap3A = arith.constant 0 : index
    %swap3A_29 = arith.constant 0 : index
    %swap3A_30 = vector.load %arg5[%swap3A, %swap3A_29] : memref<1280x128xf32, #tpu.memory_space<vmem>>, vector<1280x128xf32>
    tpu.vector_store %arg5[%swap3A, %swap3A_29], %max3A_28 {strides = array<i32>} : memref<1280x128xf32, #tpu.memory_space<vmem>>, vector<1280x128xf32>,
    return
  }
  func.func @transform_0(%arg0: i32) -> (i32, i32, i32) {
    %c0_i32 = arith.constant 0 : i32
    %c0_i32_0 = arith.constant 0 : i32
    %c0_i32_1 = arith.constant 0 : i32
    return %c0_i32, %arg0, %c0_i32_0 : i32, i32, i32
  }
  func.func @transform_1(%arg0: i32) -> (i32, i32, i32) {
    %c0_i32 = arith.constant 0 : i32
    %c0_i32_0 = arith.constant 0 : i32
    %c0_i32_1 = arith.constant 0 : i32
    return %c0_i32, %arg0, %c0_i32_0 : i32, i32, i32
  }
  func.func @transform_2(%arg0: i32) -> (i32, i32) {
    %c0_i32 = arith.constant 0 : i32
    %c0_i32_0 = arith.constant 0 : i32
    %c0_i32_1 = arith.constant 0 : i32
    return %c0_i32, %c0_i32_0 : i32, i32
  }
  func.func @transform_3(%arg0: i32) -> (i32, i32) {
    %c0_i32 = arith.constant 0 : i32
    %c0_i32_0 = arith.constant 0 : i32
    %c0_i32_1 = arith.constant 0 : i32
    return %c0_i32, %c0_i32_0 : i32, i32
  }
  func.func @transform_4(%arg0: i32) -> (i32, i32) {
    %c0_i32 = arith.constant 0 : i32
    %c0_i32_0 = arith.constant 0 : i32
    return %arg0, %c0_i32 : i32, i32
  }
}

module attributes {stable_mosaic.version = 14 : i64} {
  func.func @body(%arg0: i32, %arg1: memref<2x1280x128xf32, #tpu.memory_space<vmem>>, %arg2: memref<2x1280x16xf32, #tpu.memory_space<vmem>>, %arg3: memref<1280x128xf32, #tpu.memory_space<vmem>>) attributes {dimension_semantics = [#tpu.dimension_semantics<arbitrary>], iteration_bounds = array<i64: 8>, scalar_prefetch = 0 : i64, scratch_operands = 0 : i64, tpu.core_type = #tpu.core_type<tc>, window_params = [{transform_indices = @transform_0, window_bounds = array<i64: 2, 1280, 128>}, {transform_indices = @transform_1, window_bounds = array<i64: 2, 1280, 16>}, {transform_indices = @transform_2, window_bounds = array<i64: 1280, 128>}]} {
    %get3A = arith.constant 0 : index
    %get3A_0 = arith.constant 0 : index
    %get3A_1 = arith.constant 0 : index
    %get3A_2 = vector.load %arg1[%get3A, %get3A_0, %get3A_1] : memref<2x1280x128xf32, #tpu.memory_space<vmem>>, vector<2x1280x128xf32>
    %get3A_3 = arith.constant 0 : index
    %get3A_4 = arith.constant 0 : index
    %get3A_5 = arith.constant 0 : index
    %get3A_6 = vector.load %arg2[%get3A_3, %get3A_4, %get3A_5] : memref<2x1280x16xf32, #tpu.memory_space<vmem>>, vector<2x1280x16xf32>
    %slice3A = vector.extract_strided_slice %get3A_6 {offsets = [0, 0, 0], sizes = [1, 1280, 1], strides = [1, 1, 1]} : vector<2x1280x16xf32> to vector<1x1280x1xf32>
    %squeeze3A = vector.shape_cast %slice3A : vector<1x1280x1xf32> to vector<1280x1xf32>
    %slice3A_7 = vector.extract_strided_slice %get3A_6 {offsets = [1, 0, 0], sizes = [1, 1280, 1], strides = [1, 1, 1]} : vector<2x1280x16xf32> to vector<1x1280x1xf32>
    %squeeze3A_8 = vector.shape_cast %slice3A_7 : vector<1x1280x1xf32> to vector<1280x1xf32>
    %add3A = arith.addf %squeeze3A, %squeeze3A_8 : vector<1280x1xf32>
    %max3A = arith.constant 1.000000e+00 : f32
    %max3A_9 = vector.broadcast %max3A : f32 to vector<1280x1xf32>
    %max3A_10 = arith.maximumf %add3A, %max3A_9 : vector<1280x1xf32>
    %slice3A_11 = vector.extract_strided_slice %get3A_2 {offsets = [0, 0, 0], sizes = [1, 1280, 128], strides = [1, 1, 1]} : vector<2x1280x128xf32> to vector<1x1280x128xf32>
    %squeeze3A_12 = vector.shape_cast %slice3A_11 : vector<1x1280x128xf32> to vector<1280x128xf32>
    %slice3A_13 = vector.extract_strided_slice %get3A_2 {offsets = [1, 0, 0], sizes = [1, 1280, 128], strides = [1, 1, 1]} : vector<2x1280x128xf32> to vector<1x1280x128xf32>
    %squeeze3A_14 = vector.shape_cast %slice3A_13 : vector<1x1280x128xf32> to vector<1280x128xf32>
    %add3A_15 = arith.addf %squeeze3A_12, %squeeze3A_14 : vector<1280x128xf32>
    %div3A = vector.broadcast %max3A_10 : vector<1280x1xf32> to vector<1280x128xf32>
    %div3A_16 = arith.divf %add3A_15, %div3A : vector<1280x128xf32>
    %swap3A = arith.constant 0 : index
    %swap3A_17 = arith.constant 0 : index
    %swap3A_18 = vector.load %arg3[%swap3A, %swap3A_17] : memref<1280x128xf32, #tpu.memory_space<vmem>>, vector<1280x128xf32>
    tpu.vector_store %arg3[%swap3A, %swap3A_17], %div3A_16 {strides = array<i32>} : memref<1280x128xf32, #tpu.memory_space<vmem>>, vector<1280x128xf32>,
    return
  }
  func.func @transform_0(%arg0: i32) -> (i32, i32, i32) {
    %c0_i32 = arith.constant 0 : i32
    %c0_i32_0 = arith.constant 0 : i32
    %c0_i32_1 = arith.constant 0 : i32
    return %c0_i32, %arg0, %c0_i32_0 : i32, i32, i32
  }
  func.func @transform_1(%arg0: i32) -> (i32, i32, i32) {
    %c0_i32 = arith.constant 0 : i32
    %c0_i32_0 = arith.constant 0 : i32
    %c0_i32_1 = arith.constant 0 : i32
    return %c0_i32, %arg0, %c0_i32_0 : i32, i32, i32
  }
  func.func @transform_2(%arg0: i32) -> (i32, i32) {
    %c0_i32 = arith.constant 0 : i32
    %c0_i32_0 = arith.constant 0 : i32
    return %arg0, %c0_i32 : i32, i32
  }
}

</mosaic_0001>

<sc_bundles>
// kernel: kernel.12.cloned.1.call-start
scs
__scs_entry_jumppad:
0x0: {  	(pc) =	sbr.rel $0x88, $3  }
0x1: {  	(tag) =	ssettag $0x0;
	lr =	simm.s32 $0x1  }
0x2: {  	[smem:$0x3F99] =	sst lr;
	_ =	strace $0xD0000000  }
0x3: {  	_ = 	snop  }
0x4: {  	_ = 	snop  }
0x5: {  	_ = 	snop  }
0x6: {  	_ = 	snop  }
0x7: {  	_ = 	snop  }
__scs_overlays_trampoline_lowered:
0x8: {  	[smem:$0x3FA8] =	sst s0  }
0x9: {  	[smem:$0x3FA9] =	sst s1  }
0xa: {  	[smem:$0x3FAA] =	sst s2  }
0xb: {  	[smem:$0x3FAB] =	sst s3  }
0xc: {  	[smem:$0x3FAC] =	sst s4  }
0xd: {  	[smem:$0x3FAD] =	sst s5  }
0xe: {  	[smem:$0x3FAE] =	sst s6  }
0xf: {  	[smem:$0x3FAF] =	sst s7  }
0x10: {  	[smem:$0x3FB0] =	sst s8  }
0x11: {  	[smem:$0x3FB1] =	sst s9;
	s0 =	simm.s32 @!p0 $0x0  }
0x12: {  	s1 =	sld [smem:$0x3F97];
	s0 =	simm.s32 @p0 $0x1  }
0x13: {  	[smem:$0x3FB2] =	sst s0;
	s0 =	simm.s32 @!p1 $0x0  }
0x14: {  	s2 =	sld [smem:$0x3F96];
	s0 =	simm.s32 @p1 $0x1  }
0x15: {  	[smem:$0x3FB3] =	sst s0;
	s0 =	simm.s32 @!p2 $0x0  }
0x16: {  	s3 =	sld [smem:$0x3FDB];
	s0 =	simm.s32 @p2 $0x1  }
0x17: {  	s4 =	simm.s32 $0x1BF5;
	[smem:$0x3FB5] =	sst s0  }
0x18: {  	s0 =	sld [smem:$0x3F98];
	_ =	swait.ge [sflag:s4], $0x0  }
0x19: {  	s7 =	sld [smem:$0x3F99]  }
0x1a: {  	s8 =	sadd.s32 $0xFFFFE003, lr  }
0x1b: {  	s9 =	sadd.s32 $0xFFFFFEF7, lr;
	s5 =	simm.s32 $0xFFFFFFFF;
	p2 =	slt.u32 s8, $0xFFFFF086  }
0x1c: {  	p1 =	slt.u32 s9, $0xF7A;
	s5 =	simm.s32 @!p2 $0x0  }
0x1d: {  	s5 =	simm.s32 @p1 $0x1;
	p0 =	seq.s32 s7, s2  }
0x1e: {  	s7 =	smul.u32 @!p0 $0xF7A, s2;
	p2 =	seq.s32 @!p0 s5, $0x0  }
0x1f: {  	s9 =	smul.u32 $0xF7A, s1;
	s8 =	simm.s32 @!p0 $0x1BF5;
	p2 =	por !p2, p0  }
0x20: {  	[sflag:s8] =	ssyncset.s32 @!p0 $0xFFFFF086;
	s6 =	sadd.s32 @!p0 s3, s7;
	s7 =	simm.s32 @!p0 $0x108  }
0x21: {  	s3 =	sadd.s32 s3, s9;
	s6 =	sadd.s32 @!p0 $0x88, s6;
	s7 =	simm.s32 @p2 $0x1082  }
0x22: {  	[simem:s7], [sflag:s8] =	dma.local @!p0 [hbm:s6], $0xF7A  }
0x23: {  	s9 =	sor.u32 $0xD0000000, s2;
	s6 =	simm.s32 $0x108;
	_ =	swait.ge @!p0 [sflag:s8], $0x0  }
0x24: {  	s3 =	sadd.s32 $0x88, s3;
	s6 =	simm.s32 @!p1 $0x1082;
	[sflag:s4] =	ssyncset.s32 $0xFFFFF086  }
0x25: {  	[simem:s6], [sflag:s4] =	dma.local [hbm:s3], $0xF7A  }
0x26: {  	[smem:$0x3F99] =	sst s1;
	(tag) =	ssettag s2;
	_ =	strace s9  }
0x27: {  	s1 =	sld [smem:$0x3FA9]  }
0x28: {  	s2 =	sld [smem:$0x3FAA]  }
0x29: {  	s4 =	sld [smem:$0x3FAC]  }
0x2a: {  	p0 =	seq.s32 s5, $0x0;
	s5 =	sld [smem:$0x3FAD]  }
0x2b: {  	s6 =	sld [smem:$0x3FAE]  }
0x2c: {  	s7 =	sld [smem:$0x3FAF]  }
0x2d: {  	s3 =	simm.s32 $0x108;
	s8 =	sld [smem:$0x3FB0]  }
0x2e: {  	s3 =	simm.s32 @!p0 $0x1082;
	s9 =	sld [smem:$0x3FB1]  }
0x2f: {  	lr =	sadd.s32 s0, s3;
	s0 =	sld [smem:$0x3FA8]  }
0x30: {  	s3 =	sld [smem:$0x3FAB]  }
0x31: {  	[smem:$0x3FB4] =	sst s10  }
0x32: {  	s10 =	sld [smem:$0x3FB2];
	_ =	sdelay $0x3  }
0x33: {  	p0 =	seq.s32 s10, $0x1;
	s10 =	sld [smem:$0x3FB4];
	_ =	sdelay $0x3  }
0x34: {  	[smem:$0x3FB4] =	sst s10  }
0x35: {  	s10 =	sld [smem:$0x3FB3];
	_ =	sdelay $0x3  }
0x36: {  	p1 =	seq.s32 s10, $0x1;
	s10 =	sld [smem:$0x3FB4];
	_ =	sdelay $0x3  }
0x37: {  	[smem:$0x3FB4] =	sst s10  }
0x38: {  	s10 =	sld [smem:$0x3FB5]  }
0x39: {  	_ = 	snop;
	(pc) =	sbr.ind lr, $3  }
0x3a: {  	_ = 	snop  }
0x3b: {  	_ = 	snop  }
0x3c: {  	p2 =	seq.s32 s10, $0x1;
	s10 =	sld [smem:$0x3FB4]  }
0x3d: {  	_ =	shalt  }
0x3e: {  	_ =	shalt  }
0x3f: {  	_ =	shalt  }
0x40: {  	_ =	shalt  }
0x41: {  	_ =	shalt  }
0x42: {  	_ =	shalt  }
0x43: {  	_ =	shalt  }
0x44: {  	_ =	shalt  }
0x45: {  	_ =	shalt  }
0x46: {  	_ =	shalt  }
0x47: {  	_ =	shalt  }
0x48: {  	_ =	shalt  }
0x49: {  	_ =	shalt  }
0x4a: {  	_ =	shalt  }
0x4b: {  	_ =	shalt  }
0x4c: {  	_ =	shalt  }
0x4d: {  	_ =	shalt  }
0x4e: {  	_ =	shalt  }
0x4f: {  	_ =	shalt  }
0x50: {  	_ =	shalt  }
0x51: {  	_ =	shalt  }
0x52: {  	_ =	shalt  }
0x53: {  	_ =	shalt  }
0x54: {  	_ =	shalt  }
0x55: {  	_ =	shalt  }
0x56: {  	_ =	shalt  }
0x57: {  	_ =	shalt  }
0x58: {  	_ =	shalt  }
0x59: {  	_ =	shalt  }
0x5a: {  	_ =	shalt  }
0x5b: {  	_ =	shalt  }
0x5c: {  	_ =	shalt  }
0x5d: {  	_ =	shalt  }
0x5e: {  	_ =	shalt  }
0x5f: {  	_ =	shalt  }
0x60: {  	_ =	shalt  }
0x61: {  	_ =	shalt  }
0x62: {  	_ =	shalt  }
0x63: {  	_ =	shalt  }
0x64: {  	_ =	shalt  }
0x65: {  	_ =	shalt  }
0x66: {  	_ =	shalt  }
0x67: {  	_ =	shalt  }
0x68: {  	_ =	shalt  }
0x69: {  	_ =	shalt  }
0x6a: {  	_ =	shalt  }
0x6b: {  	_ =	shalt  }
0x6c: {  	_ =	shalt  }
0x6d: {  	_ =	shalt  }
0x6e: {  	_ =	shalt  }
0x6f: {  	_ =	shalt  }
0x70: {  	_ =	shalt  }
0x71: {  	_ =	shalt  }
0x72: {  	_ =	shalt  }
0x73: {  	_ =	shalt  }
0x74: {  	_ =	shalt  }
0x75: {  	_ =	shalt  }
0x76: {  	_ =	shalt  }
0x77: {  	_ =	shalt  }
0x78: {  	_ =	shalt  }
0x79: {  	_ =	shalt  }
0x7a: {  	_ =	shalt  }
0x7b: {  	_ =	shalt  }
0x7c: {  	_ =	shalt  }
0x7d: {  	_ =	shalt  }
0x7e: {  	_ =	shalt  }
0x7f: {  	_ =	shalt  }
0x80: {  	_ =	shalt  }
0x81: {  	_ =	shalt  }
0x82: {  	_ =	shalt  }
0x83: {  	_ =	shalt  }
0x84: {  	_ =	shalt  }
0x85: {  	_ =	shalt  }
0x86: {  	_ =	shalt  }
0x87: {  	_ =	shalt  }
.Lfunc_end0:
.L_simem_size_0:
called_computation.1_lowered:
.L_overlay_start_0:
0x88: {  	s2 =	sld [smem:$0x3FD9]  }
0x89: {  	s3 =	sld [smem:$0x3FFE];
	_ =	sdelay $0x1  }
0x8a: {  	s1 =	srdreg.scid  }
0x8b: {  	s0 =	sand.u32 $0x1, s1  }
0x8c: {  	s17 =	sshll.u32 s0, $0xA;
	s2 =	sadd.s32 s3, s2  }
0x8d: {  	s2 =	sadd.s32 s2, s17  }
0x8e: {  	[smem:$0x3FC0] =	sst s2  }
0x8f: {  	_ = 	snop  }
0x90: {  	s2 =	sld [smem:$0x3FD0];
	(tm) =	ssettm $0x1  }
0x91: {  	s18 =	sld [smem:$0x3FFB];
	_ =	sdelay $0x3  }
0x92: {  	_ =	strace s18  }
0x93: {  	s3 =	sld [smem:$0x3FFC];
	_ =	sdelay $0x3  }
0x94: {  	_ =	strace s3  }
0x95: {  	s3 =	sld [smem:$0x3FFD];
	_ =	sdelay $0x3  }
0x96: {  	_ =	strace s3  }
0x97: {  	_ =	strace $0x8FFFFFFF  }
0x98: {  	s19 =	sld [smem:$0x3FDB];
	_ =	sdelay $0x1  }
0x99: {  	s4 =	simm.s32 $_scs_section_size  }
0x9a: {  	s5 =	simm.s32 $_size__tile_overlayer_lowered;
	s6 =	simm.s32 $_tile_overlayer_lowered  }
0x9b: {  	s22 =	simm.s32 $0x1BFF;
	s21 =	sshll.u32 s6, $0x1;
	s3 =	sadd.s32 s4, s19  }
0x9c: {  	s7 =	simm.s32 $0x0;
	s20 =	sshll.u32 s5, $0x1;
	s5 =	sadd.s32 s21, s3  }
0x9d: {  	[timem:s7], [sflag:s22] =	dma.local [hbm:s5], s20  }
0x9e: {  	_ =	swait.ge [sflag:s22], s20  }
0x9f: {  	s4 =	ssub.s32 $0x0, s20;
	[sflag:s22] =	ssyncset.done $0x0  }
0xa0: {  	[sflag:s22] =	ssyncadd.s32 s4;
	_ =	sdelay $0x1  }
0xa1: {  	s23 =	simm.s32 $0x1B8B  }
0xa2: {  	_ =	swait.ge [sflag:s23], $0x1  }
0xa3: {  	[sflag:s23] =	ssyncset.done $0x0  }
0xa4: {  	s25 =	simm.s32 $0x1B8E;
	s24 =	sld [smem:$0x3FFE];
	[sflag:s23] =	ssyncadd.s32 $0xFFFFFFFF  }
0xa5: {  	s26 =	simm.s32 $execute0_lowered;
	[smem:$0x3FD2] =	sst s25  }
0xa6: {  	s5 =	sshll.u32 s26, $0x1;
	_ =	strace $0x80000049;
	[dreg:$0x1] =	wrdreg $0xFFFFFFFF  }
0xa7: {  	s28 =	simm.s32 $_size_execute0_lowered;
	s3 =	sadd.s32 s3, s5;
	[dreg:$0x0] =	wrdreg $0x0  }
0xa8: {  	s5 =	sshll.u32 s28, $0x1;
	[dreg:$0x2] =	wrdreg s3  }
0xa9: {  	[dreg:$0x3] =	wrdreg s5  }
0xaa: {  	[dreg:$0x4] =	wrdreg $0xC0  }
0xab: {  	_ =	task [dreg:s7], $0x5FFFF  }
0xac: {  	[dreg:$0x1] =	wrdreg $0xFFFFFFFF  }
0xad: {  	[dreg:$0x0] =	wrdreg $0x60  }
0xae: {  	[dreg:$0x2] =	wrdreg s24  }
0xaf: {  	[dreg:$0x3] =	wrdreg s2  }
0xb0: {  	[dreg:$0x4] =	wrdreg $0x68000  }
0xb1: {  	[dreg:$0x5] =	wrdreg $0x9  }
0xb2: {  	_ =	task.clear_ibuf [dreg:s7], $0x6FFFF;
	_ =	strace $0x90000049  }
0xb3: {  	s29 =	simm.s32 $0x9;
	_ =	strace $0x8000004B  }
0xb4: {  	_ =	swait.ge [sflag:s29], $0x1  }
0xb5: {  	[sflag:s29] =	ssyncadd.s32 $0xFFFFFFFF  }
0xb6: {  	_ =	strace $0x9000004B  }
0xb7: {  	_ =	sfence  }
0xb8: {  	s30 =	sld [smem:$0x0];
	_ =	sdelay $0x2  }
0xb9: {  	s31 =	sshll.u32 s1, $0xD;
	s1 =	sshrl.u32 s1, $0x2  }
0xba: {  	s3 =	sand.u32 $0x4000, s31;
	s1 =	sadd.s32 s1, s30  }
0xbb: {  	s0 =	sor.u32 s3, s0;
	s1 =	sshll.u32 s1, $0x11  }
0xbc: {  	s0 =	sor.u32 s1, s0  }
0xbd: {  	s0 =	sadd.s32 $0x8F2B, s0  }
0xbe: {  	[sflag:s0] =	ssyncadd.remote.s32 $0x1  }
0xbf: {  	_ =	sfence.sel $0xFFFF  }
0xc0: {  	[dreg:$0x0] =	wrdreg $0xFFFFFFFF;
	(pc) =	sbr.abs _section_cstart, $3  }
0xc1: {  	[dreg:$0x1] =	wrdreg $0xFFFFFFFF  }
0xc2: {  	_ =	task.clear_ibuf [dreg:s7], $0x2FFFF;
	_ =	strace $0x9FFFFFFF  }
0xc3: {  	(tm) =	ssettm $0x7FFFFFFF  }
tec
execute0_lowered:
.L_overlay_start_1:
0x0: {  	(tag) =	ssettag $0x1  }
0x1: {  	s8 =	rddreg [dreg:$0x0]  }
0x2: {  	s1 =	rddreg [dreg:$0x1]  }
0x3: {  	s2 =	rddreg [dreg:$0x2]  }
0x4: {  	s3 =	srdreg.scid;
	s0 =	rddreg [dreg:$0x3];
	s4 =	simm.s32 $0x0  }
0x5: {  	s15 =	simm.s32 $0x1400;
	s16 =	simm.s32 $0x40;
	s17 =	simm.s32 $0x2800  }
0x6: {  	s18 =	simm.s32 $0x4800;
	s19 =	simm.s32 $0x1;
	s20 =	simm.s32 $0x2  }
0x7: {  	s21 =	simm.s32 $0x2780;
	s9 =	sand.u32 $0x1, s3;
	s3 =	stileid.u32  }
0x8: {  	s22 =	simm.s32 $0x27C0;
	[smem:$0x7FF] =	sst s4;
	s10 =	smul.u32 $0x28000, s9  }
0x9: {  	s5 =	sadd.s32 $0xC200, s8;
	s6 =	sadd.s32 $0x2200, s8;
	s11 =	smul.u32 $0x2800, s3  }
0xa: {  	s7 =	sadd.s32 $0x34A00, s8;
	_ =	strace $0x8000004A;
	s28 =	smul.u32 $0x50, s3  }
0xb: {  	s25 =	ssub.s32 $0x2, s9;
	p0 =	seq.s32 s9, $0x0;
	s29 =	smul.u32 $0x50000, s3  }
0xc: {  	s9 =	simm.s32 $0x3;
	s14 =	smul.u32 $0xF0, s3;
	s31 =	sshll.u32 s3, $0x6  }
.Ltmp0:
0xd: {  	s26 =	sshrl.u32 s25, $0x1;
	s9 =	simm.s32 @!p0 $0x1;
	(pc) =	sbr.rel .LBB2_1-.Ltmp0, $4  }
0xe: {  	s10 =	sadd.s32 s11, s10;
	s13 =	ssub.s32 s25, s26;
	s11 =	sshrl.u32 s29, $0x2  }
0xf: {  	s12 =	sadd.s32 s10, s8;
	s8 =	simm.s32 $0x3;
	s10 =	sadd.s32 $0xF00, s28  }
0x10: {  	s30 =	sadd.s32 s11, s2;
	s11 =	sor.u32 $0x1C03, s31;
	s13 =	smax.u32 s13, $0x1  }
0x11: {  	s10 =	smov.u32 @p0 s14;
	s12 =	sadd.s32 $0x37200, s12;
	s14 =	sshrl.u32 s30, $0x3  }
.LBB2_7:
0x12: {  	s4 =	sadd.s32 $0x1, s4  }
0x13: {  	p0 =	sne.s32 s4, s13  }
.Ltmp1:
0x14: {  	[bflag:$0x0] =	sbarrier.arrive $0xFFFF;
	(pc) =	sbr.rel @!p0 .LBB2_8-.Ltmp1, $4  }
0x15: {  	[hbm:s12], [sflag:s11] =	dma.local [spmem:s14], $0x2800  }
0x16: {  	_ =	swait.ge [sflag:s8], $0x2800  }
0x17: {  	[sflag:s8] =	ssyncset.done $0x0  }
0x18: {  	[sflag:s8] =	ssyncadd.s32 $0xFFFFD800  }
.LBB2_1:
0x19: {  	[spmem:s14], [sflag:s11] =	dma.local [hbm:s7], $0x2800  }
.Ltmp2:
0x1a: {  	_ =	swait.ge [sflag:s8], $0x2800;
	(pc) =	sbr.rel .LBB2_2-.Ltmp2, $4  }
0x1b: {  	[sflag:s8] =	ssyncset.done $0x0  }
0x1c: {  	[sflag:s8] =	ssyncadd.s32 $0xFFFFD800  }
0x1d: {  	[bflag:$0x0] =	sbarrier.arrive $0xFFFF  }
0x1e: {  	s23 =	simm.s32 $0x0  }
.LBB2_6:
0x1f: {  	s23 =	sadd.s32 $0x1, s23  }
0x20: {  	p0 =	sne.s32 s23, $0x3  }
.Ltmp3:
0x21: {  	_ = 	snop;
	(pc) =	sbr.rel @!p0 .LBB2_7-.Ltmp3, $1  }
0x22: {  	_ =	sdelay $0x3  }
.LBB2_2:
0x23: {  	p0 =	sge.u32 s23, s9  }
.Ltmp4:
0x24: {  	_ = 	snop;
	(pc) =	sbr.rel @p0 .LBB2_6-.Ltmp4, $1  }
0x25: {  	_ =	sdelay $0x3  }
0x26: {  	s24 =	smul.u32 $0x50, s23;
	_ =	sdelay $0x1  }
0x27: {  	s24 =	sadd.s32 s10, s24  }
0x28: {  	s24 =	sshll.u32 s24, $0x3  }
0x29: {  	s24 =	sand.u32 $0x1FFFFF80, s24  }
0x2a: {  	s26 =	simm.s32 $0x0;
	s25 =	sadd.s32 s1, s24  }
0x2b: {  	[tilespmem:s26], [sflag:$0x3] =	stream.linear.gather [hbm4b:s25+s26], $0x1400, $0x38;
	[tilespmem:$0x1A800] =	vst v63  }
0x2c: {  	_ =	swait.ge [sflag:s8], $0x1400  }
0x2d: {  	[sflag:s8] =	ssyncset.done $0x0  }
0x2e: {  	s24 =	sadd.s32 s6, s24;
	[sflag:s8] =	ssyncadd.s32 $0xFFFFEC00  }
0x2f: {  	[tilespmem:s15], [sflag:$0x3] =	stream.linear.gather [hbm4b:s24+s26], $0x1400, $0x38;
	[tilespmem:$0x1A800] =	vst v63  }
0x30: {  	_ =	swait.ge [sflag:s8], $0x1400  }
0x31: {  	[sflag:s8] =	ssyncset.done $0x0  }
0x32: {  	[sflag:s8] =	ssyncadd.s32 $0xFFFFEC00  }
0x33: {  	[tilespmem:s17], [sflag:$0x1] =	stream.indirect.gather [hbm4b:s5+s16], $0x80, s26, s16, $0xb8;
	[tilespmem:$0x1A800] =	vst v63  }
0x34: {  	_ = 	snop  }
0x35: {  	[tilespmem:s18], [sflag:$0x2] =	stream.indirect.gather [hbm4b:s5+s16], $0x80, s16, s16, $0xb8;
	[tilespmem:$0x1A800] =	vst v63  }
0x36: {  	_ =	swait.ge [sflag:s19], $0x2000  }
0x37: {  	[sflag:s19] =	ssyncset.done $0x0  }
0x38: {  	s29 =	simm.s32 $0x1400;
	[sflag:s19] =	ssyncadd.s32 $0xFFFFE000  }
0x39: {  	[spmem:s2] =	stream.indirect.scatter.add.f32 [tilespmem:s17], [sflag:$0x3], $0x80, s29, s16, $0xb8;
	[tilespmem:$0x1A800] =	vst v63  }
0x3a: {  	_ =	swait.ge [sflag:s8], $0x2000  }
0x3b: {  	[sflag:s8] =	ssyncset.done $0x0  }
0x3c: {  	s30 =	simm.s32 $0x80;
	[sflag:s8] =	ssyncadd.s32 $0xFFFFE000  }
0x3d: {  	[tilespmem:s17], [sflag:$0x1] =	stream.indirect.gather [hbm4b:s5+s16], $0x80, s30, s16, $0xb8;
	[tilespmem:$0x1A800] =	vst v63  }
0x3e: {  	_ =	swait.ge [sflag:s20], $0x2000  }
0x3f: {  	[sflag:s20] =	ssyncset.done $0x0  }
0x40: {  	s31 =	simm.s32 $0x1440;
	[sflag:s20] =	ssyncadd.s32 $0xFFFFE000  }
0x41: {  	[spmem:s2] =	stream.indirect.scatter.add.f32 [tilespmem:s18], [sflag:$0x3], $0x80, s31, s16, $0xb8;
	[tilespmem:$0x1A800] =	vst v63  }
0x42: {  	_ =	swait.ge [sflag:s8], $0x2000  }
0x43: {  	[sflag:s8] =	ssyncset.done $0x0  }
0x44: {  	s25 =	simm.s32 $0xC0;
	s24 =	simm.s32 $0x200;
	[sflag:s8] =	ssyncadd.s32 $0xFFFFE000  }
.LBB2_4:
0x45: {  	[tilespmem:s18], [sflag:$0x2] =	stream.indirect.gather [hbm4b:s5+s16], $0x80, s25, s16, $0xb8;
	[tilespmem:$0x1A800] =	vst v63  }
0x46: {  	s25 =	smov.u32 s24  }
0x47: {  	p0 =	sne.s32 s24, $0x4C00;
	s24 =	sadd.s32 $0x200, s24;
	_ =	swait.ge [sflag:s19], $0x2000  }
0x48: {  	s25 =	sshra.s32 s25, $0x2;
	[sflag:s19] =	ssyncset.done $0x0  }
0x49: {  	s26 =	sadd.s32 $0x1400, s25;
	[sflag:s19] =	ssyncadd.s32 $0xFFFFE000  }
0x4a: {  	[spmem:s2] =	stream.indirect.scatter.add.f32 [tilespmem:s17], [sflag:$0x3], $0x80, s26, s16, $0xb8;
	[tilespmem:$0x1A800] =	vst v63  }
0x4b: {  	_ =	swait.ge [sflag:s8], $0x2000  }
0x4c: {  	[sflag:s8] =	ssyncset.done $0x0  }
0x4d: {  	s26 =	sadd.s32 $0x80, s25;
	[sflag:s8] =	ssyncadd.s32 $0xFFFFE000  }
0x4e: {  	[tilespmem:s17], [sflag:$0x1] =	stream.indirect.gather [hbm4b:s5+s16], $0x80, s26, s16, $0xb8;
	[tilespmem:$0x1A800] =	vst v63  }
0x4f: {  	_ =	swait.ge [sflag:s20], $0x2000  }
0x50: {  	[sflag:s20] =	ssyncset.done $0x0  }
.Ltmp5:
0x51: {  	s26 =	sadd.s32 $0x1440, s25;
	[sflag:s20] =	ssyncadd.s32 $0xFFFFE000;
	(pc) =	sbr.rel @p0 .LBB2_4-.Ltmp5, $4  }
0x52: {  	[spmem:s2] =	stream.indirect.scatter.add.f32 [tilespmem:s18], [sflag:$0x3], $0x80, s26, s16, $0xb8;
	[tilespmem:$0x1A800] =	vst v63  }
0x53: {  	_ =	swait.ge [sflag:s8], $0x2000  }
0x54: {  	[sflag:s8] =	ssyncset.done $0x0  }
0x55: {  	s25 =	sadd.s32 $0xC0, s25;
	[sflag:s8] =	ssyncadd.s32 $0xFFFFE000  }
0x56: {  	[tilespmem:s18], [sflag:$0x2] =	stream.indirect.gather [hbm4b:s5+s16], $0x80, s25, s16, $0xb8;
	[tilespmem:$0x1A800] =	vst v63  }
0x57: {  	_ =	swait.ge [sflag:s19], $0x2000  }
0x58: {  	[sflag:s19] =	ssyncset.done $0x0  }
0x59: {  	[sflag:s19] =	ssyncadd.s32 $0xFFFFE000  }
0x5a: {  	[spmem:s2] =	stream.indirect.scatter.add.f32 [tilespmem:s17], [sflag:$0x3], $0x80, s21, s16, $0xb8;
	[tilespmem:$0x1A800] =	vst v63  }
0x5b: {  	_ =	swait.ge [sflag:s8], $0x2000  }
0x5c: {  	[sflag:s8] =	ssyncset.done $0x0  }
0x5d: {  	[sflag:s8] =	ssyncadd.s32 $0xFFFFE000  }
0x5e: {  	_ =	swait.ge [sflag:s20], $0x2000  }
0x5f: {  	[sflag:s20] =	ssyncset.done $0x0  }
.Ltmp6:
0x60: {  	[sflag:s20] =	ssyncadd.s32 $0xFFFFE000;
	(pc) =	sbr.rel .LBB2_6-.Ltmp6, $4  }
0x61: {  	[spmem:s2] =	stream.indirect.scatter.add.f32 [tilespmem:s18], [sflag:$0x3], $0x80, s22, s16, $0xb8;
	[tilespmem:$0x1A800] =	vst v63  }
0x62: {  	_ =	swait.ge [sflag:s8], $0x2000  }
0x63: {  	[sflag:s8] =	ssyncset.done $0x0  }
0x64: {  	[sflag:s8] =	ssyncadd.s32 $0xFFFFE000  }
.LBB2_8:
0x65: {  	_ =	sfence.sel $0x180000  }
0x66: {  	[bflag:$0x0] =	sbarrier.arrive $0xFFFF  }
0x67: {  	p0 =	sne.s32 s3, $0x0;
	_ =	strace $0x9000004A  }
0x68: {  	s0 =	sadd.s32 @!p0 $0x100000, s0;
	[bflag:$0x2] =	sbarrier.arrive $0xFFFF  }
0x69: {  	[sflag:s0] =	ssyncadd.tile.s32 @!p0 $0x1;
	_ =	shalt  }
.Lfunc_end2:
_tile_overlayer_lowered:
.L_overlay_start_2:
0x6a: {  	(tag) =	ssettag $0x2  }
0x6b: {  	s0 =	rddreg [dreg:$0x0];
	s2 =	stileid.u32  }
0x6c: {  	s1 =	rddreg [dreg:$0x1];
	p0 =	sne.s32 s2, $0x0  }
0x6d: {  	s3 =	rddreg [dreg:$0x2];
	[bflag:$0x3] =	sbarrier.arrive $0xFFFF;
	s2 =	simm.s32 @!p0 $0x1C03  }
0x6e: {  	[timem:s3], [sflag:s2] =	dma.local @!p0 [hbm:s0], s1  }
0x6f: {  	s0 =	simm.s32 @!p0 $0x3  }
0x70: {  	_ =	swait.ge @!p0 [sflag:s0], s1  }
0x71: {  	s1 =	ssub.s32 @!p0 $0x0, s1;
	[sflag:s0] =	ssyncset.done @!p0 $0x0  }
0x72: {  	[sflag:s0] =	ssyncadd.s32 @!p0 s1  }
0x73: {  	[bflag:$0x3] =	sbarrier.arrive $0xFFFF  }
0x74: {  	_ =	shalt  }

// kernel: kernel.15.cloned.1.call-start
scs
__scs_entry_jumppad:
0x0: {  	(pc) =	sbr.rel $0x88, $3  }
0x1: {  	(tag) =	ssettag $0x0;
	lr =	simm.s32 $0x1  }
0x2: {  	[smem:$0x3F99] =	sst lr;
	_ =	strace $0xD0000000  }
0x3: {  	_ = 	snop  }
0x4: {  	_ = 	snop  }
0x5: {  	_ = 	snop  }
0x6: {  	_ = 	snop  }
0x7: {  	_ = 	snop  }
__scs_overlays_trampoline_lowered:
0x8: {  	[smem:$0x3FA8] =	sst s0  }
0x9: {  	[smem:$0x3FA9] =	sst s1  }
0xa: {  	[smem:$0x3FAA] =	sst s2  }
0xb: {  	[smem:$0x3FAB] =	sst s3  }
0xc: {  	[smem:$0x3FAC] =	sst s4  }
0xd: {  	[smem:$0x3FAD] =	sst s5  }
0xe: {  	[smem:$0x3FAE] =	sst s6  }
0xf: {  	[smem:$0x3FAF] =	sst s7  }
0x10: {  	[smem:$0x3FB0] =	sst s8  }
0x11: {  	[smem:$0x3FB1] =	sst s9;
	s0 =	simm.s32 @!p0 $0x0  }
0x12: {  	s1 =	sld [smem:$0x3F97];
	s0 =	simm.s32 @p0 $0x1  }
0x13: {  	[smem:$0x3FB2] =	sst s0;
	s0 =	simm.s32 @!p1 $0x0  }
0x14: {  	s2 =	sld [smem:$0x3F96];
	s0 =	simm.s32 @p1 $0x1  }
0x15: {  	[smem:$0x3FB3] =	sst s0;
	s0 =	simm.s32 @!p2 $0x0  }
0x16: {  	s3 =	sld [smem:$0x3FDB];
	s0 =	simm.s32 @p2 $0x1  }
0x17: {  	s4 =	simm.s32 $0x1BF5;
	[smem:$0x3FB5] =	sst s0  }
0x18: {  	s0 =	sld [smem:$0x3F98];
	_ =	swait.ge [sflag:s4], $0x0  }
0x19: {  	s7 =	sld [smem:$0x3F99]  }
0x1a: {  	s8 =	sadd.s32 $0xFFFFE003, lr  }
0x1b: {  	s9 =	sadd.s32 $0xFFFFFEF7, lr;
	s5 =	simm.s32 $0xFFFFFFFF;
	p2 =	slt.u32 s8, $0xFFFFF086  }
0x1c: {  	p1 =	slt.u32 s9, $0xF7A;
	s5 =	simm.s32 @!p2 $0x0  }
0x1d: {  	s5 =	simm.s32 @p1 $0x1;
	p0 =	seq.s32 s7, s2  }
0x1e: {  	s7 =	smul.u32 @!p0 $0xF7A, s2;
	p2 =	seq.s32 @!p0 s5, $0x0  }
0x1f: {  	s9 =	smul.u32 $0xF7A, s1;
	s8 =	simm.s32 @!p0 $0x1BF5;
	p2 =	por !p2, p0  }
0x20: {  	[sflag:s8] =	ssyncset.s32 @!p0 $0xFFFFF086;
	s6 =	sadd.s32 @!p0 s3, s7;
	s7 =	simm.s32 @!p0 $0x108  }
0x21: {  	s3 =	sadd.s32 s3, s9;
	s6 =	sadd.s32 @!p0 $0x88, s6;
	s7 =	simm.s32 @p2 $0x1082  }
0x22: {  	[simem:s7], [sflag:s8] =	dma.local @!p0 [hbm:s6], $0xF7A  }
0x23: {  	s9 =	sor.u32 $0xD0000000, s2;
	s6 =	simm.s32 $0x108;
	_ =	swait.ge @!p0 [sflag:s8], $0x0  }
0x24: {  	s3 =	sadd.s32 $0x88, s3;
	s6 =	simm.s32 @!p1 $0x1082;
	[sflag:s4] =	ssyncset.s32 $0xFFFFF086  }
0x25: {  	[simem:s6], [sflag:s4] =	dma.local [hbm:s3], $0xF7A  }
0x26: {  	[smem:$0x3F99] =	sst s1;
	(tag) =	ssettag s2;
	_ =	strace s9  }
0x27: {  	s1 =	sld [smem:$0x3FA9]  }
0x28: {  	s2 =	sld [smem:$0x3FAA]  }
0x29: {  	s4 =	sld [smem:$0x3FAC]  }
0x2a: {  	p0 =	seq.s32 s5, $0x0;
	s5 =	sld [smem:$0x3FAD]  }
0x2b: {  	s6 =	sld [smem:$0x3FAE]  }
0x2c: {  	s7 =	sld [smem:$0x3FAF]  }
0x2d: {  	s3 =	simm.s32 $0x108;
	s8 =	sld [smem:$0x3FB0]  }
0x2e: {  	s3 =	simm.s32 @!p0 $0x1082;
	s9 =	sld [smem:$0x3FB1]  }
0x2f: {  	lr =	sadd.s32 s0, s3;
	s0 =	sld [smem:$0x3FA8]  }
0x30: {  	s3 =	sld [smem:$0x3FAB]  }
0x31: {  	[smem:$0x3FB4] =	sst s10  }
0x32: {  	s10 =	sld [smem:$0x3FB2];
	_ =	sdelay $0x3  }
0x33: {  	p0 =	seq.s32 s10, $0x1;
	s10 =	sld [smem:$0x3FB4];
	_ =	sdelay $0x3  }
0x34: {  	[smem:$0x3FB4] =	sst s10  }
0x35: {  	s10 =	sld [smem:$0x3FB3];
	_ =	sdelay $0x3  }
0x36: {  	p1 =	seq.s32 s10, $0x1;
	s10 =	sld [smem:$0x3FB4];
	_ =	sdelay $0x3  }
0x37: {  	[smem:$0x3FB4] =	sst s10  }
0x38: {  	s10 =	sld [smem:$0x3FB5]  }
0x39: {  	_ = 	snop;
	(pc) =	sbr.ind lr, $3  }
0x3a: {  	_ = 	snop  }
0x3b: {  	_ = 	snop  }
0x3c: {  	p2 =	seq.s32 s10, $0x1;
	s10 =	sld [smem:$0x3FB4]  }
0x3d: {  	_ =	shalt  }
0x3e: {  	_ =	shalt  }
0x3f: {  	_ =	shalt  }
0x40: {  	_ =	shalt  }
0x41: {  	_ =	shalt  }
0x42: {  	_ =	shalt  }
0x43: {  	_ =	shalt  }
0x44: {  	_ =	shalt  }
0x45: {  	_ =	shalt  }
0x46: {  	_ =	shalt  }
0x47: {  	_ =	shalt  }
0x48: {  	_ =	shalt  }
0x49: {  	_ =	shalt  }
0x4a: {  	_ =	shalt  }
0x4b: {  	_ =	shalt  }
0x4c: {  	_ =	shalt  }
0x4d: {  	_ =	shalt  }
0x4e: {  	_ =	shalt  }
0x4f: {  	_ =	shalt  }
0x50: {  	_ =	shalt  }
0x51: {  	_ =	shalt  }
0x52: {  	_ =	shalt  }
0x53: {  	_ =	shalt  }
0x54: {  	_ =	shalt  }
0x55: {  	_ =	shalt  }
0x56: {  	_ =	shalt  }
0x57: {  	_ =	shalt  }
0x58: {  	_ =	shalt  }
0x59: {  	_ =	shalt  }
0x5a: {  	_ =	shalt  }
0x5b: {  	_ =	shalt  }
0x5c: {  	_ =	shalt  }
0x5d: {  	_ =	shalt  }
0x5e: {  	_ =	shalt  }
0x5f: {  	_ =	shalt  }
0x60: {  	_ =	shalt  }
0x61: {  	_ =	shalt  }
0x62: {  	_ =	shalt  }
0x63: {  	_ =	shalt  }
0x64: {  	_ =	shalt  }
0x65: {  	_ =	shalt  }
0x66: {  	_ =	shalt  }
0x67: {  	_ =	shalt  }
0x68: {  	_ =	shalt  }
0x69: {  	_ =	shalt  }
0x6a: {  	_ =	shalt  }
0x6b: {  	_ =	shalt  }
0x6c: {  	_ =	shalt  }
0x6d: {  	_ =	shalt  }
0x6e: {  	_ =	shalt  }
0x6f: {  	_ =	shalt  }
0x70: {  	_ =	shalt  }
0x71: {  	_ =	shalt  }
0x72: {  	_ =	shalt  }
0x73: {  	_ =	shalt  }
0x74: {  	_ =	shalt  }
0x75: {  	_ =	shalt  }
0x76: {  	_ =	shalt  }
0x77: {  	_ =	shalt  }
0x78: {  	_ =	shalt  }
0x79: {  	_ =	shalt  }
0x7a: {  	_ =	shalt  }
0x7b: {  	_ =	shalt  }
0x7c: {  	_ =	shalt  }
0x7d: {  	_ =	shalt  }
0x7e: {  	_ =	shalt  }
0x7f: {  	_ =	shalt  }
0x80: {  	_ =	shalt  }
0x81: {  	_ =	shalt  }
0x82: {  	_ =	shalt  }
0x83: {  	_ =	shalt  }
0x84: {  	_ =	shalt  }
0x85: {  	_ =	shalt  }
0x86: {  	_ =	shalt  }
0x87: {  	_ =	shalt  }
.Lfunc_end0:
.L_simem_size_0:
called_computation.2_lowered:
.L_overlay_start_0:
0x88: {  	s2 =	sld [smem:$0x3FD9]  }
0x89: {  	s3 =	sld [smem:$0x3FFE];
	_ =	sdelay $0x1  }
0x8a: {  	s1 =	srdreg.scid  }
0x8b: {  	s0 =	sand.u32 $0x1, s1  }
0x8c: {  	s17 =	sshll.u32 s0, $0xA;
	s2 =	sadd.s32 s3, s2  }
0x8d: {  	s2 =	sadd.s32 s2, s17  }
0x8e: {  	[smem:$0x3FC0] =	sst s2  }
0x8f: {  	_ = 	snop  }
0x90: {  	s2 =	sld [smem:$0x3FD0];
	(tm) =	ssettm $0x1  }
0x91: {  	s18 =	sld [smem:$0x3FFB];
	_ =	sdelay $0x3  }
0x92: {  	_ =	strace s18  }
0x93: {  	s3 =	sld [smem:$0x3FFC];
	_ =	sdelay $0x3  }
0x94: {  	_ =	strace s3  }
0x95: {  	s3 =	sld [smem:$0x3FFD];
	_ =	sdelay $0x3  }
0x96: {  	_ =	strace s3  }
0x97: {  	_ =	strace $0x8FFFFFFF  }
0x98: {  	s19 =	sld [smem:$0x3FDB];
	_ =	sdelay $0x1  }
0x99: {  	s4 =	simm.s32 $_scs_section_size  }
0x9a: {  	s5 =	simm.s32 $_size__tile_overlayer_lowered;
	s6 =	simm.s32 $_tile_overlayer_lowered  }
0x9b: {  	s22 =	simm.s32 $0x1BFF;
	s21 =	sshll.u32 s6, $0x1;
	s3 =	sadd.s32 s4, s19  }
0x9c: {  	s7 =	simm.s32 $0x0;
	s20 =	sshll.u32 s5, $0x1;
	s5 =	sadd.s32 s21, s3  }
0x9d: {  	[timem:s7], [sflag:s22] =	dma.local [hbm:s5], s20  }
0x9e: {  	_ =	swait.ge [sflag:s22], s20  }
0x9f: {  	s4 =	ssub.s32 $0x0, s20;
	[sflag:s22] =	ssyncset.done $0x0  }
0xa0: {  	[sflag:s22] =	ssyncadd.s32 s4;
	_ =	sdelay $0x1  }
0xa1: {  	s23 =	simm.s32 $0x1B8B  }
0xa2: {  	_ =	swait.ge [sflag:s23], $0x1  }
0xa3: {  	[sflag:s23] =	ssyncset.done $0x0  }
0xa4: {  	s25 =	simm.s32 $0x1B8E;
	s24 =	sld [smem:$0x3FFE];
	[sflag:s23] =	ssyncadd.s32 $0xFFFFFFFF  }
0xa5: {  	s26 =	simm.s32 $execute0_lowered;
	[smem:$0x3FD2] =	sst s25  }
0xa6: {  	s5 =	sshll.u32 s26, $0x1;
	_ =	strace $0x8000004C;
	[dreg:$0x1] =	wrdreg $0xFFFFFFFF  }
0xa7: {  	s28 =	simm.s32 $_size_execute0_lowered;
	s3 =	sadd.s32 s3, s5;
	[dreg:$0x0] =	wrdreg $0x0  }
0xa8: {  	s5 =	sshll.u32 s28, $0x1;
	[dreg:$0x2] =	wrdreg s3  }
0xa9: {  	[dreg:$0x3] =	wrdreg s5  }
0xaa: {  	[dreg:$0x4] =	wrdreg $0xC0  }
0xab: {  	_ =	task [dreg:s7], $0x5FFFF  }
0xac: {  	[dreg:$0x1] =	wrdreg $0xFFFFFFFF  }
0xad: {  	[dreg:$0x0] =	wrdreg $0x60  }
0xae: {  	[dreg:$0x2] =	wrdreg s24  }
0xaf: {  	[dreg:$0x3] =	wrdreg s2  }
0xb0: {  	[dreg:$0x4] =	wrdreg $0x68000  }
0xb1: {  	[dreg:$0x5] =	wrdreg $0x9  }
0xb2: {  	_ =	task.clear_ibuf [dreg:s7], $0x6FFFF;
	_ =	strace $0x9000004C  }
0xb3: {  	s29 =	simm.s32 $0x9;
	_ =	strace $0x8000004E  }
0xb4: {  	_ =	swait.ge [sflag:s29], $0x1  }
0xb5: {  	[sflag:s29] =	ssyncadd.s32 $0xFFFFFFFF  }
0xb6: {  	_ =	strace $0x9000004E  }
0xb7: {  	_ =	sfence  }
0xb8: {  	s30 =	sld [smem:$0x0];
	_ =	sdelay $0x2  }
0xb9: {  	s31 =	sshll.u32 s1, $0xD;
	s1 =	sshrl.u32 s1, $0x2  }
0xba: {  	s3 =	sand.u32 $0x4000, s31;
	s1 =	sadd.s32 s1, s30  }
0xbb: {  	s0 =	sor.u32 s3, s0;
	s1 =	sshll.u32 s1, $0x11  }
0xbc: {  	s0 =	sor.u32 s1, s0  }
0xbd: {  	s0 =	sadd.s32 $0x8F2B, s0  }
0xbe: {  	[sflag:s0] =	ssyncadd.remote.s32 $0x1  }
0xbf: {  	_ =	sfence.sel $0xFFFF  }
0xc0: {  	[dreg:$0x0] =	wrdreg $0xFFFFFFFF;
	(pc) =	sbr.abs _section_cstart, $3  }
0xc1: {  	[dreg:$0x1] =	wrdreg $0xFFFFFFFF  }
0xc2: {  	_ =	task.clear_ibuf [dreg:s7], $0x2FFFF;
	_ =	strace $0x9FFFFFFF  }
0xc3: {  	(tm) =	ssettm $0x7FFFFFFF  }
tec
execute0_lowered:
.L_overlay_start_1:
0x0: {  	(tag) =	ssettag $0x1  }
0x1: {  	s8 =	rddreg [dreg:$0x0]  }
0x2: {  	s1 =	rddreg [dreg:$0x1]  }
0x3: {  	s2 =	rddreg [dreg:$0x2]  }
0x4: {  	s3 =	srdreg.scid;
	s0 =	rddreg [dreg:$0x3];
	s4 =	simm.s32 $0x0  }
0x5: {  	s15 =	simm.s32 $0x1400;
	s16 =	simm.s32 $0x40;
	s17 =	simm.s32 $0x2800  }
0x6: {  	s18 =	simm.s32 $0x4800;
	s19 =	simm.s32 $0x1;
	s20 =	simm.s32 $0x2  }
0x7: {  	s21 =	simm.s32 $0x2780;
	s9 =	sand.u32 $0x1, s3;
	s3 =	stileid.u32  }
0x8: {  	s22 =	simm.s32 $0x27C0;
	[smem:$0x7FF] =	sst s4;
	s10 =	smul.u32 $0x28000, s9  }
0x9: {  	s5 =	sadd.s32 $0xC200, s8;
	s6 =	sadd.s32 $0x2200, s8;
	s11 =	smul.u32 $0x2800, s3  }
0xa: {  	s7 =	sadd.s32 $0x34A00, s8;
	_ =	strace $0x8000004D;
	s28 =	smul.u32 $0x50, s3  }
0xb: {  	s25 =	ssub.s32 $0x2, s9;
	p0 =	seq.s32 s9, $0x0;
	s29 =	smul.u32 $0x50000, s3  }
0xc: {  	s9 =	simm.s32 $0x3;
	s14 =	smul.u32 $0xF0, s3;
	s31 =	sshll.u32 s3, $0x6  }
.Ltmp0:
0xd: {  	s26 =	sshrl.u32 s25, $0x1;
	s9 =	simm.s32 @!p0 $0x1;
	(pc) =	sbr.rel .LBB2_1-.Ltmp0, $4  }
0xe: {  	s10 =	sadd.s32 s11, s10;
	s13 =	ssub.s32 s25, s26;
	s11 =	sshrl.u32 s29, $0x2  }
0xf: {  	s12 =	sadd.s32 s10, s8;
	s8 =	simm.s32 $0x3;
	s10 =	sadd.s32 $0xF00, s28  }
0x10: {  	s30 =	sadd.s32 s11, s2;
	s11 =	sor.u32 $0x1C03, s31;
	s13 =	smax.u32 s13, $0x1  }
0x11: {  	s10 =	smov.u32 @p0 s14;
	s12 =	sadd.s32 $0x37200, s12;
	s14 =	sshrl.u32 s30, $0x3  }
.LBB2_7:
0x12: {  	s4 =	sadd.s32 $0x1, s4  }
0x13: {  	p0 =	sne.s32 s4, s13  }
.Ltmp1:
0x14: {  	[bflag:$0x0] =	sbarrier.arrive $0xFFFF;
	(pc) =	sbr.rel @!p0 .LBB2_8-.Ltmp1, $4  }
0x15: {  	[hbm:s12], [sflag:s11] =	dma.local [spmem:s14], $0x2800  }
0x16: {  	_ =	swait.ge [sflag:s8], $0x2800  }
0x17: {  	[sflag:s8] =	ssyncset.done $0x0  }
0x18: {  	[sflag:s8] =	ssyncadd.s32 $0xFFFFD800  }
.LBB2_1:
0x19: {  	[spmem:s14], [sflag:s11] =	dma.local [hbm:s7], $0x2800  }
.Ltmp2:
0x1a: {  	_ =	swait.ge [sflag:s8], $0x2800;
	(pc) =	sbr.rel .LBB2_2-.Ltmp2, $4  }
0x1b: {  	[sflag:s8] =	ssyncset.done $0x0  }
0x1c: {  	[sflag:s8] =	ssyncadd.s32 $0xFFFFD800  }
0x1d: {  	[bflag:$0x0] =	sbarrier.arrive $0xFFFF  }
0x1e: {  	s23 =	simm.s32 $0x0  }
.LBB2_6:
0x1f: {  	s23 =	sadd.s32 $0x1, s23  }
0x20: {  	p0 =	sne.s32 s23, $0x3  }
.Ltmp3:
0x21: {  	_ = 	snop;
	(pc) =	sbr.rel @!p0 .LBB2_7-.Ltmp3, $1  }
0x22: {  	_ =	sdelay $0x3  }
.LBB2_2:
0x23: {  	p0 =	sge.u32 s23, s9  }
.Ltmp4:
0x24: {  	_ = 	snop;
	(pc) =	sbr.rel @p0 .LBB2_6-.Ltmp4, $1  }
0x25: {  	_ =	sdelay $0x3  }
0x26: {  	s24 =	smul.u32 $0x50, s23;
	_ =	sdelay $0x1  }
0x27: {  	s24 =	sadd.s32 s10, s24  }
0x28: {  	s24 =	sshll.u32 s24, $0x3  }
0x29: {  	s24 =	sand.u32 $0x1FFFFF80, s24  }
0x2a: {  	s26 =	simm.s32 $0x0;
	s25 =	sadd.s32 s1, s24  }
0x2b: {  	[tilespmem:s26], [sflag:$0x3] =	stream.linear.gather [hbm4b:s25+s26], $0x1400, $0x38;
	[tilespmem:$0x1A800] =	vst v63  }
0x2c: {  	_ =	swait.ge [sflag:s8], $0x1400  }
0x2d: {  	[sflag:s8] =	ssyncset.done $0x0  }
0x2e: {  	s24 =	sadd.s32 s6, s24;
	[sflag:s8] =	ssyncadd.s32 $0xFFFFEC00  }
0x2f: {  	[tilespmem:s15], [sflag:$0x3] =	stream.linear.gather [hbm4b:s24+s26], $0x1400, $0x38;
	[tilespmem:$0x1A800] =	vst v63  }
0x30: {  	_ =	swait.ge [sflag:s8], $0x1400  }
0x31: {  	[sflag:s8] =	ssyncset.done $0x0  }
0x32: {  	[sflag:s8] =	ssyncadd.s32 $0xFFFFEC00  }
0x33: {  	[tilespmem:s17], [sflag:$0x1] =	stream.indirect.gather [hbm4b:s5+s16], $0x80, s26, s16, $0xb8;
	[tilespmem:$0x1A800] =	vst v63  }
0x34: {  	_ = 	snop  }
0x35: {  	[tilespmem:s18], [sflag:$0x2] =	stream.indirect.gather [hbm4b:s5+s16], $0x80, s16, s16, $0xb8;
	[tilespmem:$0x1A800] =	vst v63  }
0x36: {  	_ =	swait.ge [sflag:s19], $0x2000  }
0x37: {  	[sflag:s19] =	ssyncset.done $0x0  }
0x38: {  	s29 =	simm.s32 $0x1400;
	[sflag:s19] =	ssyncadd.s32 $0xFFFFE000  }
0x39: {  	[spmem:s2] =	stream.indirect.scatter.add.f32 [tilespmem:s17], [sflag:$0x3], $0x80, s29, s16, $0xb8;
	[tilespmem:$0x1A800] =	vst v63  }
0x3a: {  	_ =	swait.ge [sflag:s8], $0x2000  }
0x3b: {  	[sflag:s8] =	ssyncset.done $0x0  }
0x3c: {  	s30 =	simm.s32 $0x80;
	[sflag:s8] =	ssyncadd.s32 $0xFFFFE000  }
0x3d: {  	[tilespmem:s17], [sflag:$0x1] =	stream.indirect.gather [hbm4b:s5+s16], $0x80, s30, s16, $0xb8;
	[tilespmem:$0x1A800] =	vst v63  }
0x3e: {  	_ =	swait.ge [sflag:s20], $0x2000  }
0x3f: {  	[sflag:s20] =	ssyncset.done $0x0  }
0x40: {  	s31 =	simm.s32 $0x1440;
	[sflag:s20] =	ssyncadd.s32 $0xFFFFE000  }
0x41: {  	[spmem:s2] =	stream.indirect.scatter.add.f32 [tilespmem:s18], [sflag:$0x3], $0x80, s31, s16, $0xb8;
	[tilespmem:$0x1A800] =	vst v63  }
0x42: {  	_ =	swait.ge [sflag:s8], $0x2000  }
0x43: {  	[sflag:s8] =	ssyncset.done $0x0  }
0x44: {  	s25 =	simm.s32 $0xC0;
	s24 =	simm.s32 $0x200;
	[sflag:s8] =	ssyncadd.s32 $0xFFFFE000  }
.LBB2_4:
0x45: {  	[tilespmem:s18], [sflag:$0x2] =	stream.indirect.gather [hbm4b:s5+s16], $0x80, s25, s16, $0xb8;
	[tilespmem:$0x1A800] =	vst v63  }
0x46: {  	s25 =	smov.u32 s24  }
0x47: {  	p0 =	sne.s32 s24, $0x4C00;
	s24 =	sadd.s32 $0x200, s24;
	_ =	swait.ge [sflag:s19], $0x2000  }
0x48: {  	s25 =	sshra.s32 s25, $0x2;
	[sflag:s19] =	ssyncset.done $0x0  }
0x49: {  	s26 =	sadd.s32 $0x1400, s25;
	[sflag:s19] =	ssyncadd.s32 $0xFFFFE000  }
0x4a: {  	[spmem:s2] =	stream.indirect.scatter.add.f32 [tilespmem:s17], [sflag:$0x3], $0x80, s26, s16, $0xb8;
	[tilespmem:$0x1A800] =	vst v63  }
0x4b: {  	_ =	swait.ge [sflag:s8], $0x2000  }
0x4c: {  	[sflag:s8] =	ssyncset.done $0x0  }
0x4d: {  	s26 =	sadd.s32 $0x80, s25;
	[sflag:s8] =	ssyncadd.s32 $0xFFFFE000  }
0x4e: {  	[tilespmem:s17], [sflag:$0x1] =	stream.indirect.gather [hbm4b:s5+s16], $0x80, s26, s16, $0xb8;
	[tilespmem:$0x1A800] =	vst v63  }
0x4f: {  	_ =	swait.ge [sflag:s20], $0x2000  }
0x50: {  	[sflag:s20] =	ssyncset.done $0x0  }
.Ltmp5:
0x51: {  	s26 =	sadd.s32 $0x1440, s25;
	[sflag:s20] =	ssyncadd.s32 $0xFFFFE000;
	(pc) =	sbr.rel @p0 .LBB2_4-.Ltmp5, $4  }
0x52: {  	[spmem:s2] =	stream.indirect.scatter.add.f32 [tilespmem:s18], [sflag:$0x3], $0x80, s26, s16, $0xb8;
	[tilespmem:$0x1A800] =	vst v63  }
0x53: {  	_ =	swait.ge [sflag:s8], $0x2000  }
0x54: {  	[sflag:s8] =	ssyncset.done $0x0  }
0x55: {  	s25 =	sadd.s32 $0xC0, s25;
	[sflag:s8] =	ssyncadd.s32 $0xFFFFE000  }
0x56: {  	[tilespmem:s18], [sflag:$0x2] =	stream.indirect.gather [hbm4b:s5+s16], $0x80, s25, s16, $0xb8;
	[tilespmem:$0x1A800] =	vst v63  }
0x57: {  	_ =	swait.ge [sflag:s19], $0x2000  }
0x58: {  	[sflag:s19] =	ssyncset.done $0x0  }
0x59: {  	[sflag:s19] =	ssyncadd.s32 $0xFFFFE000  }
0x5a: {  	[spmem:s2] =	stream.indirect.scatter.add.f32 [tilespmem:s17], [sflag:$0x3], $0x80, s21, s16, $0xb8;
	[tilespmem:$0x1A800] =	vst v63  }
0x5b: {  	_ =	swait.ge [sflag:s8], $0x2000  }
0x5c: {  	[sflag:s8] =	ssyncset.done $0x0  }
0x5d: {  	[sflag:s8] =	ssyncadd.s32 $0xFFFFE000  }
0x5e: {  	_ =	swait.ge [sflag:s20], $0x2000  }
0x5f: {  	[sflag:s20] =	ssyncset.done $0x0  }
.Ltmp6:
0x60: {  	[sflag:s20] =	ssyncadd.s32 $0xFFFFE000;
	(pc) =	sbr.rel .LBB2_6-.Ltmp6, $4  }
0x61: {  	[spmem:s2] =	stream.indirect.scatter.add.f32 [tilespmem:s18], [sflag:$0x3], $0x80, s22, s16, $0xb8;
	[tilespmem:$0x1A800] =	vst v63  }
0x62: {  	_ =	swait.ge [sflag:s8], $0x2000  }
0x63: {  	[sflag:s8] =	ssyncset.done $0x0  }
0x64: {  	[sflag:s8] =	ssyncadd.s32 $0xFFFFE000  }
.LBB2_8:
0x65: {  	_ =	sfence.sel $0x180000  }
0x66: {  	[bflag:$0x0] =	sbarrier.arrive $0xFFFF  }
0x67: {  	p0 =	sne.s32 s3, $0x0;
	_ =	strace $0x9000004D  }
0x68: {  	s0 =	sadd.s32 @!p0 $0x100000, s0;
	[bflag:$0x2] =	sbarrier.arrive $0xFFFF  }
0x69: {  	[sflag:s0] =	ssyncadd.tile.s32 @!p0 $0x1;
	_ =	shalt  }
.Lfunc_end2:
_tile_overlayer_lowered:
.L_overlay_start_2:
0x6a: {  	(tag) =	ssettag $0x2  }
0x6b: {  	s0 =	rddreg [dreg:$0x0];
	s2 =	stileid.u32  }
0x6c: {  	s1 =	rddreg [dreg:$0x1];
	p0 =	sne.s32 s2, $0x0  }
0x6d: {  	s3 =	rddreg [dreg:$0x2];
	[bflag:$0x3] =	sbarrier.arrive $0xFFFF;
	s2 =	simm.s32 @!p0 $0x1C03  }
0x6e: {  	[timem:s3], [sflag:s2] =	dma.local @!p0 [hbm:s0], s1  }
0x6f: {  	s0 =	simm.s32 @!p0 $0x3  }
0x70: {  	_ =	swait.ge @!p0 [sflag:s0], s1  }
0x71: {  	s1 =	ssub.s32 @!p0 $0x0, s1;
	[sflag:s0] =	ssyncset.done @!p0 $0x0  }
0x72: {  	[sflag:s0] =	ssyncadd.s32 @!p0 s1  }
0x73: {  	[bflag:$0x3] =	sbarrier.arrive $0xFFFF  }
0x74: {  	_ =	shalt  }

// kernel: kernel.9.cloned.1.call-start
scs
__scs_entry_jumppad:
0x0: {  	(pc) =	sbr.rel $0x88, $3  }
0x1: {  	(tag) =	ssettag $0x0;
	lr =	simm.s32 $0x1  }
0x2: {  	[smem:$0x3F99] =	sst lr;
	_ =	strace $0xD0000000  }
0x3: {  	_ = 	snop  }
0x4: {  	_ = 	snop  }
0x5: {  	_ = 	snop  }
0x6: {  	_ = 	snop  }
0x7: {  	_ = 	snop  }
__scs_overlays_trampoline_lowered:
0x8: {  	[smem:$0x3FA8] =	sst s0  }
0x9: {  	[smem:$0x3FA9] =	sst s1  }
0xa: {  	[smem:$0x3FAA] =	sst s2  }
0xb: {  	[smem:$0x3FAB] =	sst s3  }
0xc: {  	[smem:$0x3FAC] =	sst s4  }
0xd: {  	[smem:$0x3FAD] =	sst s5  }
0xe: {  	[smem:$0x3FAE] =	sst s6  }
0xf: {  	[smem:$0x3FAF] =	sst s7  }
0x10: {  	[smem:$0x3FB0] =	sst s8  }
0x11: {  	[smem:$0x3FB1] =	sst s9;
	s0 =	simm.s32 @!p0 $0x0  }
0x12: {  	s1 =	sld [smem:$0x3F97];
	s0 =	simm.s32 @p0 $0x1  }
0x13: {  	[smem:$0x3FB2] =	sst s0;
	s0 =	simm.s32 @!p1 $0x0  }
0x14: {  	s2 =	sld [smem:$0x3F96];
	s0 =	simm.s32 @p1 $0x1  }
0x15: {  	[smem:$0x3FB3] =	sst s0;
	s0 =	simm.s32 @!p2 $0x0  }
0x16: {  	s3 =	sld [smem:$0x3FDB];
	s0 =	simm.s32 @p2 $0x1  }
0x17: {  	s4 =	simm.s32 $0x1BF5;
	[smem:$0x3FB5] =	sst s0  }
0x18: {  	s0 =	sld [smem:$0x3F98];
	_ =	swait.ge [sflag:s4], $0x0  }
0x19: {  	s7 =	sld [smem:$0x3F99]  }
0x1a: {  	s8 =	sadd.s32 $0xFFFFE003, lr  }
0x1b: {  	s9 =	sadd.s32 $0xFFFFFEF7, lr;
	s5 =	simm.s32 $0xFFFFFFFF;
	p2 =	slt.u32 s8, $0xFFFFF086  }
0x1c: {  	p1 =	slt.u32 s9, $0xF7A;
	s5 =	simm.s32 @!p2 $0x0  }
0x1d: {  	s5 =	simm.s32 @p1 $0x1;
	p0 =	seq.s32 s7, s2  }
0x1e: {  	s7 =	smul.u32 @!p0 $0xF7A, s2;
	p2 =	seq.s32 @!p0 s5, $0x0  }
0x1f: {  	s9 =	smul.u32 $0xF7A, s1;
	s8 =	simm.s32 @!p0 $0x1BF5;
	p2 =	por !p2, p0  }
0x20: {  	[sflag:s8] =	ssyncset.s32 @!p0 $0xFFFFF086;
	s6 =	sadd.s32 @!p0 s3, s7;
	s7 =	simm.s32 @!p0 $0x108  }
0x21: {  	s3 =	sadd.s32 s3, s9;
	s6 =	sadd.s32 @!p0 $0x88, s6;
	s7 =	simm.s32 @p2 $0x1082  }
0x22: {  	[simem:s7], [sflag:s8] =	dma.local @!p0 [hbm:s6], $0xF7A  }
0x23: {  	s9 =	sor.u32 $0xD0000000, s2;
	s6 =	simm.s32 $0x108;
	_ =	swait.ge @!p0 [sflag:s8], $0x0  }
0x24: {  	s3 =	sadd.s32 $0x88, s3;
	s6 =	simm.s32 @!p1 $0x1082;
	[sflag:s4] =	ssyncset.s32 $0xFFFFF086  }
0x25: {  	[simem:s6], [sflag:s4] =	dma.local [hbm:s3], $0xF7A  }
0x26: {  	[smem:$0x3F99] =	sst s1;
	(tag) =	ssettag s2;
	_ =	strace s9  }
0x27: {  	s1 =	sld [smem:$0x3FA9]  }
0x28: {  	s2 =	sld [smem:$0x3FAA]  }
0x29: {  	s4 =	sld [smem:$0x3FAC]  }
0x2a: {  	p0 =	seq.s32 s5, $0x0;
	s5 =	sld [smem:$0x3FAD]  }
0x2b: {  	s6 =	sld [smem:$0x3FAE]  }
0x2c: {  	s7 =	sld [smem:$0x3FAF]  }
0x2d: {  	s3 =	simm.s32 $0x108;
	s8 =	sld [smem:$0x3FB0]  }
0x2e: {  	s3 =	simm.s32 @!p0 $0x1082;
	s9 =	sld [smem:$0x3FB1]  }
0x2f: {  	lr =	sadd.s32 s0, s3;
	s0 =	sld [smem:$0x3FA8]  }
0x30: {  	s3 =	sld [smem:$0x3FAB]  }
0x31: {  	[smem:$0x3FB4] =	sst s10  }
0x32: {  	s10 =	sld [smem:$0x3FB2];
	_ =	sdelay $0x3  }
0x33: {  	p0 =	seq.s32 s10, $0x1;
	s10 =	sld [smem:$0x3FB4];
	_ =	sdelay $0x3  }
0x34: {  	[smem:$0x3FB4] =	sst s10  }
0x35: {  	s10 =	sld [smem:$0x3FB3];
	_ =	sdelay $0x3  }
0x36: {  	p1 =	seq.s32 s10, $0x1;
	s10 =	sld [smem:$0x3FB4];
	_ =	sdelay $0x3  }
0x37: {  	[smem:$0x3FB4] =	sst s10  }
0x38: {  	s10 =	sld [smem:$0x3FB5]  }
0x39: {  	_ = 	snop;
	(pc) =	sbr.ind lr, $3  }
0x3a: {  	_ = 	snop  }
0x3b: {  	_ = 	snop  }
0x3c: {  	p2 =	seq.s32 s10, $0x1;
	s10 =	sld [smem:$0x3FB4]  }
0x3d: {  	_ =	shalt  }
0x3e: {  	_ =	shalt  }
0x3f: {  	_ =	shalt  }
0x40: {  	_ =	shalt  }
0x41: {  	_ =	shalt  }
0x42: {  	_ =	shalt  }
0x43: {  	_ =	shalt  }
0x44: {  	_ =	shalt  }
0x45: {  	_ =	shalt  }
0x46: {  	_ =	shalt  }
0x47: {  	_ =	shalt  }
0x48: {  	_ =	shalt  }
0x49: {  	_ =	shalt  }
0x4a: {  	_ =	shalt  }
0x4b: {  	_ =	shalt  }
0x4c: {  	_ =	shalt  }
0x4d: {  	_ =	shalt  }
0x4e: {  	_ =	shalt  }
0x4f: {  	_ =	shalt  }
0x50: {  	_ =	shalt  }
0x51: {  	_ =	shalt  }
0x52: {  	_ =	shalt  }
0x53: {  	_ =	shalt  }
0x54: {  	_ =	shalt  }
0x55: {  	_ =	shalt  }
0x56: {  	_ =	shalt  }
0x57: {  	_ =	shalt  }
0x58: {  	_ =	shalt  }
0x59: {  	_ =	shalt  }
0x5a: {  	_ =	shalt  }
0x5b: {  	_ =	shalt  }
0x5c: {  	_ =	shalt  }
0x5d: {  	_ =	shalt  }
0x5e: {  	_ =	shalt  }
0x5f: {  	_ =	shalt  }
0x60: {  	_ =	shalt  }
0x61: {  	_ =	shalt  }
0x62: {  	_ =	shalt  }
0x63: {  	_ =	shalt  }
0x64: {  	_ =	shalt  }
0x65: {  	_ =	shalt  }
0x66: {  	_ =	shalt  }
0x67: {  	_ =	shalt  }
0x68: {  	_ =	shalt  }
0x69: {  	_ =	shalt  }
0x6a: {  	_ =	shalt  }
0x6b: {  	_ =	shalt  }
0x6c: {  	_ =	shalt  }
0x6d: {  	_ =	shalt  }
0x6e: {  	_ =	shalt  }
0x6f: {  	_ =	shalt  }
0x70: {  	_ =	shalt  }
0x71: {  	_ =	shalt  }
0x72: {  	_ =	shalt  }
0x73: {  	_ =	shalt  }
0x74: {  	_ =	shalt  }
0x75: {  	_ =	shalt  }
0x76: {  	_ =	shalt  }
0x77: {  	_ =	shalt  }
0x78: {  	_ =	shalt  }
0x79: {  	_ =	shalt  }
0x7a: {  	_ =	shalt  }
0x7b: {  	_ =	shalt  }
0x7c: {  	_ =	shalt  }
0x7d: {  	_ =	shalt  }
0x7e: {  	_ =	shalt  }
0x7f: {  	_ =	shalt  }
0x80: {  	_ =	shalt  }
0x81: {  	_ =	shalt  }
0x82: {  	_ =	shalt  }
0x83: {  	_ =	shalt  }
0x84: {  	_ =	shalt  }
0x85: {  	_ =	shalt  }
0x86: {  	_ =	shalt  }
0x87: {  	_ =	shalt  }
.Lfunc_end0:
.L_simem_size_0:
called_computation_lowered:
.L_overlay_start_0:
0x88: {  	s2 =	sld [smem:$0x3FD9]  }
0x89: {  	s3 =	sld [smem:$0x3FFE];
	_ =	sdelay $0x1  }
0x8a: {  	s1 =	srdreg.scid  }
0x8b: {  	s0 =	sand.u32 $0x1, s1  }
0x8c: {  	s17 =	sshll.u32 s0, $0xA;
	s2 =	sadd.s32 s3, s2  }
0x8d: {  	s2 =	sadd.s32 s2, s17  }
0x8e: {  	[smem:$0x3FC0] =	sst s2  }
0x8f: {  	_ = 	snop  }
0x90: {  	s2 =	sld [smem:$0x3FD0];
	(tm) =	ssettm $0x1  }
0x91: {  	s18 =	sld [smem:$0x3FFB];
	_ =	sdelay $0x3  }
0x92: {  	_ =	strace s18  }
0x93: {  	s3 =	sld [smem:$0x3FFC];
	_ =	sdelay $0x3  }
0x94: {  	_ =	strace s3  }
0x95: {  	s3 =	sld [smem:$0x3FFD];
	_ =	sdelay $0x3  }
0x96: {  	_ =	strace s3  }
0x97: {  	_ =	strace $0x8FFFFFFF  }
0x98: {  	s19 =	sld [smem:$0x3FDB];
	_ =	sdelay $0x1  }
0x99: {  	s4 =	simm.s32 $_scs_section_size  }
0x9a: {  	s5 =	simm.s32 $_size__tile_overlayer_lowered;
	s6 =	simm.s32 $_tile_overlayer_lowered  }
0x9b: {  	s22 =	simm.s32 $0x1BFF;
	s21 =	sshll.u32 s6, $0x1;
	s3 =	sadd.s32 s4, s19  }
0x9c: {  	s7 =	simm.s32 $0x0;
	s20 =	sshll.u32 s5, $0x1;
	s5 =	sadd.s32 s21, s3  }
0x9d: {  	[timem:s7], [sflag:s22] =	dma.local [hbm:s5], s20  }
0x9e: {  	_ =	swait.ge [sflag:s22], s20  }
0x9f: {  	s4 =	ssub.s32 $0x0, s20;
	[sflag:s22] =	ssyncset.done $0x0  }
0xa0: {  	[sflag:s22] =	ssyncadd.s32 s4;
	_ =	sdelay $0x1  }
0xa1: {  	s23 =	simm.s32 $0x1B8B  }
0xa2: {  	_ =	swait.ge [sflag:s23], $0x1  }
0xa3: {  	[sflag:s23] =	ssyncset.done $0x0  }
0xa4: {  	s25 =	simm.s32 $0x1B8E;
	s24 =	sld [smem:$0x3FFE];
	[sflag:s23] =	ssyncadd.s32 $0xFFFFFFFF  }
0xa5: {  	s26 =	simm.s32 $execute0_lowered;
	[smem:$0x3FD2] =	sst s25  }
0xa6: {  	s5 =	sshll.u32 s26, $0x1;
	_ =	strace $0x80000046;
	[dreg:$0x1] =	wrdreg $0xFFFFFFFF  }
0xa7: {  	s28 =	simm.s32 $_size_execute0_lowered;
	s3 =	sadd.s32 s3, s5;
	[dreg:$0x0] =	wrdreg $0x0  }
0xa8: {  	s5 =	sshll.u32 s28, $0x1;
	[dreg:$0x2] =	wrdreg s3  }
0xa9: {  	[dreg:$0x3] =	wrdreg s5  }
0xaa: {  	[dreg:$0x4] =	wrdreg $0xC0  }
0xab: {  	_ =	task [dreg:s7], $0x5FFFF  }
0xac: {  	[dreg:$0x1] =	wrdreg $0xFFFFFFFF  }
0xad: {  	[dreg:$0x0] =	wrdreg $0x60  }
0xae: {  	[dreg:$0x2] =	wrdreg s24  }
0xaf: {  	[dreg:$0x3] =	wrdreg s2  }
0xb0: {  	[dreg:$0x4] =	wrdreg $0x54000  }
0xb1: {  	[dreg:$0x5] =	wrdreg $0x198000  }
0xb2: {  	[dreg:$0x6] =	wrdreg $0x9  }
0xb3: {  	_ =	task.clear_ibuf [dreg:s7], $0x7FFFF;
	_ =	strace $0x90000046  }
0xb4: {  	s29 =	simm.s32 $0x9;
	_ =	strace $0x80000048  }
0xb5: {  	_ =	swait.ge [sflag:s29], $0x1  }
0xb6: {  	[sflag:s29] =	ssyncadd.s32 $0xFFFFFFFF  }
0xb7: {  	_ =	strace $0x90000048  }
0xb8: {  	_ =	sfence  }
0xb9: {  	s30 =	sld [smem:$0x0];
	_ =	sdelay $0x2  }
0xba: {  	s31 =	sshll.u32 s1, $0xD;
	s1 =	sshrl.u32 s1, $0x2  }
0xbb: {  	s3 =	sand.u32 $0x4000, s31;
	s1 =	sadd.s32 s1, s30  }
0xbc: {  	s0 =	sor.u32 s3, s0;
	s1 =	sshll.u32 s1, $0x11  }
0xbd: {  	s0 =	sor.u32 s1, s0  }
0xbe: {  	s0 =	sadd.s32 $0x8F2B, s0  }
0xbf: {  	[sflag:s0] =	ssyncadd.remote.s32 $0x1  }
0xc0: {  	_ =	sfence.sel $0xFFFF  }
0xc1: {  	[dreg:$0x0] =	wrdreg $0xFFFFFFFF;
	(pc) =	sbr.abs _section_cstart, $3  }
0xc2: {  	[dreg:$0x1] =	wrdreg $0xFFFFFFFF  }
0xc3: {  	_ =	task.clear_ibuf [dreg:s7], $0x2FFFF;
	_ =	strace $0x9FFFFFFF  }
0xc4: {  	(tm) =	ssettm $0x7FFFFFFF  }
0xc5: {  	_ =	shalt  }
tec
execute0_lowered:
.L_overlay_start_1:
0x0: {  	(tag) =	ssettag $0x1  }
0x1: {  	s1 =	rddreg [dreg:$0x0]  }
0x2: {  	s0 =	rddreg [dreg:$0x1]  }
0x3: {  	s3 =	rddreg [dreg:$0x2];
	s2 =	srdreg.scid  }
0x4: {  	s4 =	rddreg [dreg:$0x3];
	s5 =	stileid.u32  }
0x5: {  	s6 =	simm.s32 $0x0;
	s18 =	simm.s32 $0x3;
	s20 =	simm.s32 $0x19400  }
0x6: {  	s21 =	simm.s32 $0xA00;
	s22 =	simm.s32 $0x40;
	s8 =	smul.u32 $0x280, s5  }
0x7: {  	s28 =	simm.s32 $0x1380;
	s29 =	simm.s32 $0x13C0;
	s13 =	smul.u32 $0xF0, s5  }
0x8: {  	s30 =	simm.s32 $0x0;
	s2 =	sand.u32 $0x1, s2;
	s15 =	smul.u32 $0x50, s5  }
0x9: {  	[smem:$0x7FF] =	sst s6;
	s6 =	sadd.s32 $0xC200, s1;
	s25 =	smul.u32 $0x50000, s5  }
0xa: {  	s9 =	sadd.s32 $0x34400, s1;
	s10 =	sadd.s32 $0x34200, s1;
	s26 =	smul.u32 $0xA000, s5  }
0xb: {  	s31 =	sshll.u32 s5, $0x6;
	s7 =	smul.u32 $0x2800, s2;
	s23 =	ssub.s32 $0x2, s2  }
0xc: {  	_ =	strace $0x80000047;
	p0 =	seq.s32 s2, $0x0;
	s24 =	sshrl.u32 s23, $0x1  }
0xd: {  	s2 =	sshrl.u32 s25, $0x2;
	s25 =	simm.s32 $0x1;
	s11 =	sadd.s32 s8, s7  }
0xe: {  	s7 =	sadd.s32 $0x2200, s1;
	s8 =	sadd.s32 $0x34A00, s1;
	s16 =	ssub.s32 s23, s24  }
0xf: {  	s2 =	sadd.s32 s2, s3;
	s23 =	simm.s32 $0x1400;
	s24 =	simm.s32 $0x3400  }
0x10: {  	s12 =	sshll.u32 s11, $0x4;
	s11 =	sshll.u32 s11, $0x1;
	s16 =	smax.u32 s16, $0x1  }
.Ltmp0:
0x11: {  	s17 =	sshrl.u32 s2, $0x3;
	s14 =	sadd.s32 s12, s1;
	(pc) =	sbr.rel .LBB2_1-.Ltmp0, $4  }
0x12: {  	s1 =	sadd.s32 s11, s1;
	s11 =	simm.s32 $0x6;
	s12 =	sadd.s32 $0xF00, s15  }
0x13: {  	s15 =	sshrl.u32 s26, $0x2;
	s26 =	simm.s32 $0x2;
	s11 =	simm.s32 @!p0 $0x2  }
0x14: {  	s12 =	smov.u32 @p0 s13;
	s13 =	sor.u32 $0x1C03, s31;
	s19 =	sadd.s32 s15, s4  }
0x15: {  	s14 =	sadd.s32 $0x41200, s14;
	s15 =	sadd.s32 $0x37200, s1;
	s19 =	sshrl.u32 s19, $0x3  }
.LBB2_7:
0x16: {  	[bflag:$0x0] =	sbarrier.arrive $0xFFFF  }
0x17: {  	[hbm:s14], [sflag:s13] =	dma.local [spmem:s17], $0x2800  }
0x18: {  	s30 =	sadd.s32 $0x1, s30;
	_ =	swait.ge [sflag:s18], $0x2800  }
0x19: {  	p0 =	sne.s32 s30, s16;
	[sflag:s18] =	ssyncset.done $0x0  }
.Ltmp1:
0x1a: {  	[sflag:s18] =	ssyncadd.s32 $0xFFFFD800;
	(pc) =	sbr.rel @!p0 .LBB2_8-.Ltmp1, $4  }
0x1b: {  	[hbm:s15], [sflag:s13] =	dma.local [spmem:s19], $0x500  }
0x1c: {  	_ =	swait.ge [sflag:s18], $0x500  }
0x1d: {  	[sflag:s18] =	ssyncset.done $0x0  }
0x1e: {  	[sflag:s18] =	ssyncadd.s32 $0xFFFFFB00  }
.LBB2_1:
0x1f: {  	[spmem:s17], [sflag:s13] =	dma.local [hbm:s8], $0x2800  }
0x20: {  	_ =	swait.ge [sflag:s18], $0x2800  }
0x21: {  	[sflag:s18] =	ssyncset.done $0x0  }
0x22: {  	[sflag:s18] =	ssyncadd.s32 $0xFFFFD800  }
0x23: {  	[spmem:s19], [sflag:s13] =	dma.local [hbm:s9], $0x500  }
0x24: {  	_ =	swait.ge [sflag:s18], $0x500  }
0x25: {  	[sflag:s18] =	ssyncset.done $0x0  }
0x26: {  	s1 =	simm.s32 $0x0;
	[sflag:s18] =	ssyncadd.s32 $0xFFFFFB00  }
0x27: {  	[tilespmem:s20], [sflag:$0x3] =	stream.linear.gather [hbm4b:s10+s1], $0x400, $0x38;
	[tilespmem:$0x1C000] =	vst v63  }
.Ltmp2:
0x28: {  	_ =	swait.ge [sflag:s18], $0x400;
	(pc) =	sbr.rel .LBB2_2-.Ltmp2, $4  }
0x29: {  	[sflag:s18] =	ssyncset.done $0x0  }
0x2a: {  	[sflag:s18] =	ssyncadd.s32 $0xFFFFFC00  }
0x2b: {  	[bflag:$0x0] =	sbarrier.arrive $0xFFFF  }
0x2c: {  	s31 =	simm.s32 $0x0  }
.LBB2_6:
0x2d: {  	s31 =	sadd.s32 $0x1, s31  }
0x2e: {  	p0 =	sne.s32 s31, $0x6  }
.Ltmp3:
0x2f: {  	_ = 	snop;
	(pc) =	sbr.rel @!p0 .LBB2_7-.Ltmp3, $1  }
0x30: {  	_ =	sdelay $0x3  }
.LBB2_2:
0x31: {  	p0 =	sge.u32 s31, s11  }
.Ltmp4:
0x32: {  	_ = 	snop;
	(pc) =	sbr.rel @p0 .LBB2_6-.Ltmp4, $1  }
0x33: {  	_ =	sdelay $0x3  }
0x34: {  	s1 =	smul.u32 $0x28, s31;
	_ =	sdelay $0x1  }
0x35: {  	s1 =	sadd.s32 s12, s1  }
0x36: {  	s1 =	sshll.u32 s1, $0x3  }
0x37: {  	s1 =	sand.u32 $0x1FFFFFC0, s1  }
0x38: {  	s5 =	simm.s32 $0x0;
	s2 =	sadd.s32 s0, s1  }
0x39: {  	[tilespmem:s5], [sflag:$0x3] =	stream.linear.gather [hbm4b:s2+s5], $0xA00, $0x38;
	[tilespmem:$0x1C000] =	vst v63  }
0x3a: {  	_ =	swait.ge [sflag:s18], $0xA00  }
0x3b: {  	[sflag:s18] =	ssyncset.done $0x0  }
0x3c: {  	s1 =	sadd.s32 s7, s1;
	[sflag:s18] =	ssyncadd.s32 $0xFFFFF600  }
0x3d: {  	[tilespmem:s21], [sflag:$0x3] =	stream.linear.gather [hbm4b:s1+s5], $0xA00, $0x38;
	[tilespmem:$0x1C000] =	vst v63  }
0x3e: {  	_ =	swait.ge [sflag:s18], $0xA00  }
0x3f: {  	[sflag:s18] =	ssyncset.done $0x0  }
0x40: {  	[sflag:s18] =	ssyncadd.s32 $0xFFFFF600  }
0x41: {  	[tilespmem:s23], [sflag:$0x1] =	stream.indirect.gather [hbm4b:s6+s22], $0x80, s5, s22, $0xb8;
	[tilespmem:$0x1C000] =	vst v63  }
0x42: {  	_ = 	snop  }
0x43: {  	[tilespmem:s24], [sflag:$0x2] =	stream.indirect.gather [hbm4b:s6+s22], $0x80, s22, s22, $0xb8;
	[tilespmem:$0x1C000] =	vst v63  }
0x44: {  	_ =	swait.ge [sflag:s25], $0x2000  }
0x45: {  	[sflag:s25] =	ssyncset.done $0x0  }
0x46: {  	s5 =	simm.s32 $0xA00;
	[sflag:s25] =	ssyncadd.s32 $0xFFFFE000  }
0x47: {  	[spmem:s3] =	stream.indirect.scatter.add.f32 [tilespmem:s23], [sflag:$0x3], $0x80, s5, s22, $0xb8;
	[tilespmem:$0x1C000] =	vst v63  }
0x48: {  	_ =	swait.ge [sflag:s18], $0x2000  }
0x49: {  	[sflag:s18] =	ssyncset.done $0x0  }
0x4a: {  	[sflag:s18] =	ssyncadd.s32 $0xFFFFE000  }
0x4b: {  	[spmem:s4] =	stream.indirect.scatter.add.f32 [tilespmem:s20], [sflag:$0x3], $0x10, s5, s22, $0xb8;
	[tilespmem:$0x1C000] =	vst v63  }
0x4c: {  	_ =	swait.ge [sflag:s18], $0x400  }
0x4d: {  	[sflag:s18] =	ssyncset.done $0x0  }
0x4e: {  	s2 =	simm.s32 $0x80;
	[sflag:s18] =	ssyncadd.s32 $0xFFFFFC00  }
0x4f: {  	[tilespmem:s23], [sflag:$0x1] =	stream.indirect.gather [hbm4b:s6+s22], $0x80, s2, s22, $0xb8;
	[tilespmem:$0x1C000] =	vst v63  }
0x50: {  	_ =	swait.ge [sflag:s26], $0x2000  }
0x51: {  	[sflag:s26] =	ssyncset.done $0x0  }
0x52: {  	s5 =	simm.s32 $0xA40;
	[sflag:s26] =	ssyncadd.s32 $0xFFFFE000  }
0x53: {  	[spmem:s3] =	stream.indirect.scatter.add.f32 [tilespmem:s24], [sflag:$0x3], $0x80, s5, s22, $0xb8;
	[tilespmem:$0x1C000] =	vst v63  }
0x54: {  	_ =	swait.ge [sflag:s18], $0x2000  }
0x55: {  	[sflag:s18] =	ssyncset.done $0x0  }
0x56: {  	[sflag:s18] =	ssyncadd.s32 $0xFFFFE000  }
0x57: {  	[spmem:s4] =	stream.indirect.scatter.add.f32 [tilespmem:s20], [sflag:$0x3], $0x10, s5, s22, $0xb8;
	[tilespmem:$0x1C000] =	vst v63  }
0x58: {  	_ =	swait.ge [sflag:s18], $0x400  }
0x59: {  	[sflag:s18] =	ssyncset.done $0x0  }
0x5a: {  	s1 =	simm.s32 $0x200;
	s2 =	simm.s32 $0xC0;
	[sflag:s18] =	ssyncadd.s32 $0xFFFFFC00  }
.LBB2_4:
0x5b: {  	[tilespmem:s24], [sflag:$0x2] =	stream.indirect.gather [hbm4b:s6+s22], $0x80, s2, s22, $0xb8;
	[tilespmem:$0x1C000] =	vst v63  }
0x5c: {  	s2 =	smov.u32 s1  }
0x5d: {  	p0 =	sne.s32 s1, $0x2400;
	s1 =	sadd.s32 $0x200, s1;
	_ =	swait.ge [sflag:s25], $0x2000  }
0x5e: {  	s2 =	sshra.s32 s2, $0x2;
	[sflag:s25] =	ssyncset.done $0x0  }
0x5f: {  	s5 =	sadd.s32 $0xA00, s2;
	[sflag:s25] =	ssyncadd.s32 $0xFFFFE000  }
0x60: {  	[spmem:s3] =	stream.indirect.scatter.add.f32 [tilespmem:s23], [sflag:$0x3], $0x80, s5, s22, $0xb8;
	[tilespmem:$0x1C000] =	vst v63  }
0x61: {  	_ =	swait.ge [sflag:s18], $0x2000  }
0x62: {  	[sflag:s18] =	ssyncset.done $0x0  }
0x63: {  	[sflag:s18] =	ssyncadd.s32 $0xFFFFE000  }
0x64: {  	[spmem:s4] =	stream.indirect.scatter.add.f32 [tilespmem:s20], [sflag:$0x3], $0x10, s5, s22, $0xb8;
	[tilespmem:$0x1C000] =	vst v63  }
0x65: {  	_ =	swait.ge [sflag:s18], $0x400  }
0x66: {  	[sflag:s18] =	ssyncset.done $0x0  }
0x67: {  	s5 =	sadd.s32 $0x80, s2;
	[sflag:s18] =	ssyncadd.s32 $0xFFFFFC00  }
0x68: {  	[tilespmem:s23], [sflag:$0x1] =	stream.indirect.gather [hbm4b:s6+s22], $0x80, s5, s22, $0xb8;
	[tilespmem:$0x1C000] =	vst v63  }
0x69: {  	_ =	swait.ge [sflag:s26], $0x2000  }
0x6a: {  	[sflag:s26] =	ssyncset.done $0x0  }
0x6b: {  	s5 =	sadd.s32 $0xA40, s2;
	[sflag:s26] =	ssyncadd.s32 $0xFFFFE000  }
0x6c: {  	[spmem:s3] =	stream.indirect.scatter.add.f32 [tilespmem:s24], [sflag:$0x3], $0x80, s5, s22, $0xb8;
	[tilespmem:$0x1C000] =	vst v63  }
0x6d: {  	_ =	swait.ge [sflag:s18], $0x2000  }
0x6e: {  	[sflag:s18] =	ssyncset.done $0x0  }
.Ltmp5:
0x6f: {  	[sflag:s18] =	ssyncadd.s32 $0xFFFFE000;
	(pc) =	sbr.rel @p0 .LBB2_4-.Ltmp5, $4  }
0x70: {  	[spmem:s4] =	stream.indirect.scatter.add.f32 [tilespmem:s20], [sflag:$0x3], $0x10, s5, s22, $0xb8;
	[tilespmem:$0x1C000] =	vst v63  }
0x71: {  	_ =	swait.ge [sflag:s18], $0x400  }
0x72: {  	[sflag:s18] =	ssyncset.done $0x0  }
0x73: {  	s2 =	sadd.s32 $0xC0, s2;
	[sflag:s18] =	ssyncadd.s32 $0xFFFFFC00  }
0x74: {  	[tilespmem:s24], [sflag:$0x2] =	stream.indirect.gather [hbm4b:s6+s22], $0x80, s2, s22, $0xb8;
	[tilespmem:$0x1C000] =	vst v63  }
0x75: {  	_ =	swait.ge [sflag:s25], $0x2000  }
0x76: {  	[sflag:s25] =	ssyncset.done $0x0  }
0x77: {  	[sflag:s25] =	ssyncadd.s32 $0xFFFFE000  }
0x78: {  	[spmem:s3] =	stream.indirect.scatter.add.f32 [tilespmem:s23], [sflag:$0x3], $0x80, s28, s22, $0xb8;
	[tilespmem:$0x1C000] =	vst v63  }
0x79: {  	_ =	swait.ge [sflag:s18], $0x2000  }
0x7a: {  	[sflag:s18] =	ssyncset.done $0x0  }
0x7b: {  	[sflag:s18] =	ssyncadd.s32 $0xFFFFE000  }
0x7c: {  	[spmem:s4] =	stream.indirect.scatter.add.f32 [tilespmem:s20], [sflag:$0x3], $0x10, s28, s22, $0xb8;
	[tilespmem:$0x1C000] =	vst v63  }
0x7d: {  	_ =	swait.ge [sflag:s18], $0x400  }
0x7e: {  	[sflag:s18] =	ssyncset.done $0x0  }
0x7f: {  	[sflag:s18] =	ssyncadd.s32 $0xFFFFFC00  }
0x80: {  	_ =	swait.ge [sflag:s26], $0x2000  }
0x81: {  	[sflag:s26] =	ssyncset.done $0x0  }
0x82: {  	[sflag:s26] =	ssyncadd.s32 $0xFFFFE000  }
0x83: {  	[spmem:s3] =	stream.indirect.scatter.add.f32 [tilespmem:s24], [sflag:$0x3], $0x80, s29, s22, $0xb8;
	[tilespmem:$0x1C000] =	vst v63  }
0x84: {  	_ =	swait.ge [sflag:s18], $0x2000  }
0x85: {  	[sflag:s18] =	ssyncset.done $0x0  }
.Ltmp6:
0x86: {  	[sflag:s18] =	ssyncadd.s32 $0xFFFFE000;
	(pc) =	sbr.rel .LBB2_6-.Ltmp6, $4  }
0x87: {  	[spmem:s4] =	stream.indirect.scatter.add.f32 [tilespmem:s20], [sflag:$0x3], $0x10, s29, s22, $0xb8;
	[tilespmem:$0x1C000] =	vst v63  }
0x88: {  	_ =	swait.ge [sflag:s18], $0x400  }
0x89: {  	[sflag:s18] =	ssyncset.done $0x0  }
0x8a: {  	[sflag:s18] =	ssyncadd.s32 $0xFFFFFC00  }
.LBB2_8:
0x8b: {  	_ =	sfence.sel $0x180000  }
0x8c: {  	[bflag:$0x0] =	sbarrier.arrive $0xFFFF  }
0x8d: {  	_ =	strace $0x90000047  }
0x8e: {  	s0 =	stileid.u32;
	[bflag:$0x2] =	sbarrier.arrive $0xFFFF  }
0x8f: {  	p0 =	sne.s32 s0, $0x0;
	s0 =	rddreg [dreg:$0x4]  }
0x90: {  	s0 =	sadd.s32 @!p0 $0x100000, s0  }
0x91: {  	[sflag:s0] =	ssyncadd.tile.s32 @!p0 $0x1;
	_ =	shalt  }
.Lfunc_end2:
_tile_overlayer_lowered:
.L_overlay_start_2:
0x92: {  	(tag) =	ssettag $0x2  }
0x93: {  	s0 =	rddreg [dreg:$0x0];
	s2 =	stileid.u32  }
0x94: {  	s1 =	rddreg [dreg:$0x1];
	p0 =	sne.s32 s2, $0x0  }
0x95: {  	s3 =	rddreg [dreg:$0x2];
	[bflag:$0x3] =	sbarrier.arrive $0xFFFF;
	s2 =	simm.s32 @!p0 $0x1C03  }
0x96: {  	[timem:s3], [sflag:s2] =	dma.local @!p0 [hbm:s0], s1  }
0x97: {  	s0 =	simm.s32 @!p0 $0x3  }
0x98: {  	_ =	swait.ge @!p0 [sflag:s0], s1  }
0x99: {  	s1 =	ssub.s32 @!p0 $0x0, s1;
	[sflag:s0] =	ssyncset.done @!p0 $0x0  }
0x9a: {  	[sflag:s0] =	ssyncadd.s32 @!p0 s1  }
0x9b: {  	[bflag:$0x3] =	sbarrier.arrive $0xFFFF  }
0x9c: {  	_ =	shalt  }

</sc_bundles>
